<compile_context>
chip_gen: v7x
topology: tpu7x:2x2x1
jax: 0.10.2.dev20260603
libtpu: 0.0.44.dev20260713+nightly
codegen_flags: <defaults>
</compile_context>

<pallas_src>
import functools

import jax
import jax.numpy as jnp
from jax import lax
from jax.experimental import pallas as pl
from jax.experimental.pallas import tpu as pltpu
from jax.experimental.pallas import tpu_sc as plsc

NC = 2
NS = 16
NW = NC * NS
LANES = 16


def _deg_kernel_fn(N, E, EPW):
    nvec = EPW // LANES
    SLAB = 624
    SLABW = 640

    mesh = plsc.VectorSubcoreMesh(core_axis_name="c", subcore_axis_name="s")

    @functools.partial(
        pl.kernel,
        mesh=mesh,
        out_type=jax.ShapeDtypeStruct((NC * N,), jnp.float32),
        scratch_types=[
            pltpu.VMEM((EPW,), jnp.int32),
            pltpu.VMEM((N,), jnp.float32),
            pltpu.VMEM((NS * SLABW,), jnp.float32),
            pltpu.VMEM((SLABW,), jnp.float32),
            pltpu.VMEM_SHARED((NS * N,), jnp.float32),
            pltpu.SemaphoreType.DMA,
        ],
        compiler_params=pltpu.CompilerParams(needs_layout_passes=False),
    )
    def deg_kernel(edges_hbm, out_hbm, dst_all, deg_v, red_v, sum_v, degs, sem):
        c = lax.axis_index("c")
        s = lax.axis_index("s")
        wid = s * NC + c

        ld_dst = pltpu.async_copy(
            edges_hbm.at[pl.ds(E + wid * EPW, EPW)], dst_all, sem)

        zeros16 = jnp.zeros((LANES,), jnp.float32)
        UNR = 5

        def zero_body(i, _):
            for u in range(UNR):
                deg_v[pl.ds((i * UNR + u) * LANES, LANES)] = zeros16
            return 0

        lax.fori_loop(0, N // LANES // UNR, zero_body, 0)

        ld_dst.wait()

        ones16 = jnp.ones((LANES,), jnp.float32)

        def body(j, _):
            for u in range(UNR):
                idx = dst_all[pl.ds((j * UNR + u) * LANES, LANES)]
                plsc.addupdate_scatter(deg_v, [idx], ones16)
            return 0

        lax.fori_loop(0, nvec // UNR, body, 0)

        pltpu.sync_copy(deg_v, degs.at[pl.ds(s * N, N)])
        plsc.subcore_barrier()

        rb = s * SLAB
        for t in range(NS):
            pltpu.sync_copy(
                degs.at[pl.ds(t * N + rb, SLABW)],
                red_v.at[pl.ds(t * SLABW, SLABW)],
            )

        def red_body(g, _):
            v = zeros16
            for t in range(NS):
                v = v + red_v[pl.ds(t * SLABW + g * LANES, LANES)]
            sum_v[pl.ds(g * LANES, LANES)] = v
            return 0

        lax.fori_loop(0, SLABW // LANES, red_body, 0)

        pltpu.sync_copy(sum_v, out_hbm.at[pl.ds(c * N + rb, SLABW)])

    return deg_kernel


def _col_factor(dinv_block, bn, d):
    db, w = dinv_block.shape
    d3 = lax.broadcast_in_dim(dinv_block, (db, w, d), (0, 1))
    return d3.reshape(bn, d)


def _mlp_body(x_ref, dinv_ref, w1_ref, b1_ref, w2_ref, b2_ref, h2_ref):
    bn = x_ref.shape[0]
    dcol = _col_factor(dinv_ref[...], bn, w2_ref.shape[1])
    h = jnp.maximum(
        jnp.dot(x_ref[...], w1_ref[...], preferred_element_type=jnp.float32)
        + b1_ref[...],
        0.0,
    )
    h2 = (
        jnp.dot(h, w2_ref[...], preferred_element_type=jnp.float32) + b2_ref[...]
    ) * dcol
    h2_ref[...] = h2


def _spmm_kernel_fn(N, D, E, EPW, K):
    NCH = EPW // K
    TAIL = EPW - NCH * K
    SLAB = 624
    SLABW = 640

    mesh = plsc.VectorSubcoreMesh(core_axis_name="c", subcore_axis_name="s")

    @functools.partial(
        pl.kernel,
        mesh=mesh,
        out_type=jax.ShapeDtypeStruct((NC, N, D), jnp.float32),
        scratch_types=[
            pltpu.VMEM((EPW,), jnp.int32),
            pltpu.VMEM((EPW,), jnp.int32),
            pltpu.VMEM((K, D), jnp.float32),
            pltpu.VMEM((K, D), jnp.float32),
            pltpu.VMEM((K, D), jnp.float32),
            pltpu.VMEM((K, D), jnp.float32),
            pltpu.VMEM((K, D), jnp.float32),
            pltpu.VMEM_SHARED((N, D), jnp.float32),
            pltpu.SemaphoreType.DMA,
            pltpu.SemaphoreType.DMA,
            pltpu.SemaphoreType.DMA,
            pltpu.SemaphoreType.DMA,
            pltpu.SemaphoreType.DMA,
        ],
        compiler_params=pltpu.CompilerParams(needs_layout_passes=False),
    )
    def spmm_kernel(edges_hbm, h2_hbm, out_hbm, src_all, dst_all,
                    rows0, rows1, rows2, rows3, rows4, acc,
                    sem0, sem1, sem2, sem3, sem4):
        c = lax.axis_index("c")
        s = lax.axis_index("s")
        wid = s * NC + c
        ebase = wid * EPW
        rbase = s * SLAB

        ld_src = pltpu.async_copy(edges_hbm.at[pl.ds(ebase, EPW)], src_all, sem2)
        ld_dst = pltpu.async_copy(
            edges_hbm.at[pl.ds(E + ebase, EPW)], dst_all, sem3)

        zeros16 = jnp.zeros((LANES,), jnp.float32)

        def zrow(i, _):
            for k in range(D // LANES):
                rows0[i, pl.ds(k * LANES, LANES)] = zeros16
            return 0

        lax.fori_loop(0, K, zrow, 0)

        def zcopy(j, _):
            pltpu.sync_copy(rows0, acc.at[pl.ds(rbase + j * K, K)])
            return 0

        lax.fori_loop(0, SLABW // K, zcopy, 0)
        ZREM = SLABW - (SLABW // K) * K
        if ZREM:
            pltpu.sync_copy(
                rows0.at[pl.ds(0, ZREM)],
                acc.at[pl.ds(rbase + SLABW - ZREM, ZREM)],
            )

        ld_src.wait()
        ld_dst.wait()

        plsc.subcore_barrier()

        def gather(j, buf, sem):
            pltpu.async_copy(h2_hbm.at[src_all.at[pl.ds(j * K, K)]], buf, sem)

        def scatter(j, buf):
            pltpu.sync_copy(buf, acc.at[dst_all.at[pl.ds(j * K, K)]], add=True)

        gather(0, rows0, sem0)
        gather(1, rows1, sem1)
        gather(2, rows2, sem2)
        gather(3, rows3, sem3)

        def chunk(j, _):
            def step(buf, sem, bufn, semn):
                pltpu.make_async_copy(h2_hbm.at[pl.ds(0, K)], buf, sem).wait()

                @pl.when(j + 4 < NCH)
                def _():
                    gather(j + 4, bufn, semn)

                scatter(j, buf)

            @pl.when(j % 5 == 0)
            def _():
                step(rows0, sem0, rows4, sem4)

            @pl.when(j % 5 == 1)
            def _():
                step(rows1, sem1, rows0, sem0)

            @pl.when(j % 5 == 2)
            def _():
                step(rows2, sem2, rows1, sem1)

            @pl.when(j % 5 == 3)
            def _():
                step(rows3, sem3, rows2, sem2)

            @pl.when(j % 5 == 4)
            def _():
                step(rows4, sem4, rows3, sem3)

            return 0

        lax.fori_loop(0, NCH, chunk, 0)

        if TAIL:
            tbase = NCH * K
            pltpu.async_copy(
                h2_hbm.at[src_all.at[pl.ds(tbase, TAIL)]],
                rows0.at[pl.ds(0, TAIL)],
                sem0,
            ).wait()
            pltpu.sync_copy(
                rows0.at[pl.ds(0, TAIL)],
                acc.at[dst_all.at[pl.ds(tbase, TAIL)]],
                add=True,
            )

        plsc.subcore_barrier()

        pltpu.sync_copy(
            acc.at[pl.ds(rbase, SLABW)],
            out_hbm.at[c, pl.ds(rbase, SLABW)],
        )

    return spmm_kernel


def _final_body(p_ref, dinv_ref, out_ref):
    bn = p_ref.shape[1]
    dcol = _col_factor(dinv_ref[...], bn, p_ref.shape[2])
    v = (p_ref[0] + p_ref[1]) * dcol
    m = jnp.max(v, axis=1, keepdims=True)
    e = jnp.exp(v - m)
    lse = jnp.log(jnp.sum(e, axis=1, keepdims=True)) + m
    out_ref[...] = v - lse


def kernel(x, edge_index, W1, b1, W2, b2):
    N, D_IN = x.shape
    D_H = W1.shape[1]
    D = W2.shape[1]
    E = edge_index.shape[1]

    EPW = E // NW
    K = 48

    edges = edge_index.reshape(2 * E)

    degp = _deg_kernel_fn(N, E, EPW)(edges)
    dinv2d = lax.rsqrt(jnp.maximum(degp[:N] + degp[N:], 1.0)).reshape(80, 125)

    BN = 2000
    grid = N // BN
    DB = BN // 125
    h2 = pl.pallas_call(
        _mlp_body,
        grid=(grid,),
        in_specs=[
            pl.BlockSpec((BN, D_IN), lambda i: (i, 0)),
            pl.BlockSpec((DB, 125), lambda i: (i, 0)),
            pl.BlockSpec((D_IN, D_H), lambda i: (0, 0)),
            pl.BlockSpec((1, D_H), lambda i: (0, 0)),
            pl.BlockSpec((D_H, D), lambda i: (0, 0)),
            pl.BlockSpec((1, D), lambda i: (0, 0)),
        ],
        out_specs=pl.BlockSpec((BN, D), lambda i: (i, 0)),
        out_shape=jax.ShapeDtypeStruct((N, D), jnp.float32),
    )(x, dinv2d, W1, b1.reshape(1, D_H), W2, b2.reshape(1, D))

    partials = _spmm_kernel_fn(N, D, E, EPW, K)(edges, h2)

    out = pl.pallas_call(
        _final_body,
        grid=(grid,),
        in_specs=[
            pl.BlockSpec((NC, BN, D), lambda i: (0, i, 0)),
            pl.BlockSpec((DB, 125), lambda i: (i, 0)),
        ],
        out_specs=pl.BlockSpec((BN, D), lambda i: (i, 0)),
        out_shape=jax.ShapeDtypeStruct((N, D), jnp.float32),
    )(partials, dinv2d)

    return out

# --- scband reference (transcript-rebuilt; emitter-appended) ---
"""Pipeline reference for scband-smpgnn-33629593928250 (READ-ONLY COPY).

The authoritative reference and input builder live on the scoring server;
editing this copy changes nothing except your own understanding.
"""

import jax, jax.numpy as jnp
import numpy as np

N = 10000
E = 320000
D_IN = 128
D_H = 128
D_OUT = 128


def setup_inputs(seed: int = 0) -> dict:
    key = jax.random.key(seed)
    ks = jax.random.split(key, 6)
    x = jax.random.normal(ks[0], (N, D_IN), dtype=jnp.float32)
    edge_index = jax.random.randint(ks[1], (2, E), 0, N, dtype=jnp.int32)
    W1 = jax.random.normal(ks[2], (D_IN, D_H), dtype=jnp.float32) * (1.0 / np.sqrt(D_IN))
    b1 = jnp.zeros((D_H,), dtype=jnp.float32)
    W2 = jax.random.normal(ks[3], (D_H, D_OUT), dtype=jnp.float32) * (1.0 / np.sqrt(D_H))
    b2 = jnp.zeros((D_OUT,), dtype=jnp.float32)
    return {"x": x, "edge_index": edge_index, "W1": W1, "b1": b1, "W2": W2, "b2": b2}


def reference(x, edge_index, W1, b1, W2, b2):
    # Eval-mode forward of SMPGNN with FP32 (identity) quantizers:
    # dropout is a no-op at eval; lin1 -> relu -> lin2 -> prop (GCN-normalized SpMM) -> log_softmax
    h = jax.nn.relu(x @ W1 + b1)
    h = h @ W2 + b2
    src = edge_index[0]
    dst = edge_index[1]
    ones = jnp.ones((E,), dtype=jnp.float32)
    deg = jax.ops.segment_sum(ones, dst, num_segments=N)
    deg = jnp.maximum(deg, 1.0)
    d_inv_sqrt = 1.0 / jnp.sqrt(deg)
    norm = d_inv_sqrt[src] * d_inv_sqrt[dst]
    msg = h[src] * norm[:, None]
    out = jax.ops.segment_sum(msg, dst, num_segments=N)
    return jax.nn.log_softmax(out, axis=1)

if __name__ == "__main__":
    import jax
    _d = setup_inputs()
    print(jax.jit(kernel)(*tuple(_d.values())))

</pallas_src>

<mosaic_0001>
#map = affine_map<(d0, d1) -> (0)>
#map1 = affine_map<(d0, d1) -> (0, 0)>
#map2 = affine_map<(d0, d1) -> (0, 0, 0)>
module attributes {stable_mosaic.version = 14 : i64} {
  func.func @spmm_kernel(%arg0: i32, %arg1: i32, %arg2: memref<640000xi32, #tpu.memory_space<hbm>>, %arg3: memref<10000x128xf32, #tpu.memory_space<hbm>>, %arg4: memref<2x10000x128xf32, #tpu.memory_space<hbm>>, %arg5: memref<10000xi32, #tpu.memory_space<vmem>>, %arg6: memref<10000xi32, #tpu.memory_space<vmem>>, %arg7: memref<48x128xf32, #tpu.memory_space<vmem>>, %arg8: memref<48x128xf32, #tpu.memory_space<vmem>>, %arg9: memref<48x128xf32, #tpu.memory_space<vmem>>, %arg10: memref<48x128xf32, #tpu.memory_space<vmem>>, %arg11: memref<48x128xf32, #tpu.memory_space<vmem>>, %arg12: memref<10000x128xf32, #tpu.memory_space<vmem_shared>>, %arg13: memref<!tpu.dma_semaphore, #tpu.memory_space<semaphore_mem>>, %arg14: memref<!tpu.dma_semaphore, #tpu.memory_space<semaphore_mem>>, %arg15: memref<!tpu.dma_semaphore, #tpu.memory_space<semaphore_mem>>, %arg16: memref<!tpu.dma_semaphore, #tpu.memory_space<semaphore_mem>>, %arg17: memref<!tpu.dma_semaphore, #tpu.memory_space<semaphore_mem>>) attributes {dimension_semantics = [#tpu.dimension_semantics<core_parallel>, #tpu.dimension_semantics<subcore_parallel>], iteration_bounds = array<i64: 2, 16>, scalar_prefetch = 0 : i64, scratch_operands = 13 : i64, tpu.core_type = #tpu.core_type<sc_vector_subcore>, window_params = [{transform_indices = #map}, {transform_indices = #map1}, {transform_indices = #map2}]} {
    %mul3A = arith.constant 2 : i32
    %mul3A_0 = arith.muli %arg1, %mul3A : i32
    %add3A = arith.addi %mul3A_0, %arg0 : i32
    %mul3A_1 = arith.constant 10000 : i32
    %mul3A_2 = arith.muli %add3A, %mul3A_1 : i32
    %mul3A_3 = arith.constant 624 : i32
    %mul3A_4 = arith.muli %arg1, %mul3A_3 : i32
    %dma_start3A = tpu.memref_slice %arg2[%mul3A_2] : memref<640000xi32, #tpu.memory_space<hbm>> -> memref<10000xi32, #tpu.memory_space<hbm>>
    %dma_start3A_5 = tpu.memref_slice %arg2[%mul3A_2] : memref<640000xi32, #tpu.memory_space<hbm>> -> memref<10000xi32, #tpu.memory_space<hbm>>
    tpu.enqueue_dma source(%dma_start3A_5 : memref<10000xi32, #tpu.memory_space<hbm>>) target(%arg5 : memref<10000xi32, #tpu.memory_space<vmem>>) target_semaphore(%arg15 : memref<!tpu.dma_semaphore, #tpu.memory_space<semaphore_mem>>)
    %add3A_6 = arith.constant 320000 : i32
    %add3A_7 = arith.addi %add3A_6, %mul3A_2 : i32
    %dma_start3A_8 = tpu.memref_slice %arg2[%add3A_7] : memref<640000xi32, #tpu.memory_space<hbm>> -> memref<10000xi32, #tpu.memory_space<hbm>>
    %dma_start3A_9 = tpu.memref_slice %arg2[%add3A_7] : memref<640000xi32, #tpu.memory_space<hbm>> -> memref<10000xi32, #tpu.memory_space<hbm>>
    tpu.enqueue_dma source(%dma_start3A_9 : memref<10000xi32, #tpu.memory_space<hbm>>) target(%arg6 : memref<10000xi32, #tpu.memory_space<vmem>>) target_semaphore(%arg16 : memref<!tpu.dma_semaphore, #tpu.memory_space<semaphore_mem>>)
    %broadcast_in_dim3A = arith.constant 0.000000e+00 : f32
    %broadcast_in_dim3A_10 = vector.broadcast %broadcast_in_dim3A : f32 to vector<16xf32>
    %scan3A = arith.constant 0 : i32
    %scan3A_11 = arith.constant 0 : i32
    %scan3A_12 = arith.constant 48 : i32
    %scan3A_13 = arith.addi %scan3A_11, %scan3A_12 : i32
    %scan3A_14 = arith.constant 1 : i32
    %scan3A_15 = scf.for %scan3A_74 = %scan3A_11 to %scan3A_13 step %scan3A_14 iter_args(%scan3A_75 = %scan3A) -> (i32)  : i32 {
      %swap3A = arith.index_cast %scan3A_74 : i32 to index
      %swap3A_76 = arith.constant 0 : index
      %swap3A_77 = tpu.vector_load %arg7[%swap3A, %swap3A_76] {strides = array<i32>} : memref<48x128xf32, #tpu.memory_space<vmem>>, vector<16xf32>,
      tpu.vector_store %arg7[%swap3A, %swap3A_76], %broadcast_in_dim3A_10 {strides = array<i32>} : memref<48x128xf32, #tpu.memory_space<vmem>>, vector<16xf32>,
      %swap3A_78 = arith.index_cast %scan3A_74 : i32 to index
      %swap3A_79 = arith.constant 16 : index
      %swap3A_80 = tpu.vector_load %arg7[%swap3A_78, %swap3A_79] {strides = array<i32>} : memref<48x128xf32, #tpu.memory_space<vmem>>, vector<16xf32>,
      tpu.vector_store %arg7[%swap3A_78, %swap3A_79], %broadcast_in_dim3A_10 {strides = array<i32>} : memref<48x128xf32, #tpu.memory_space<vmem>>, vector<16xf32>,
      %swap3A_81 = arith.index_cast %scan3A_74 : i32 to index
      %swap3A_82 = arith.constant 32 : index
      %swap3A_83 = tpu.vector_load %arg7[%swap3A_81, %swap3A_82] {strides = array<i32>} : memref<48x128xf32, #tpu.memory_space<vmem>>, vector<16xf32>,
      tpu.vector_store %arg7[%swap3A_81, %swap3A_82], %broadcast_in_dim3A_10 {strides = array<i32>} : memref<48x128xf32, #tpu.memory_space<vmem>>, vector<16xf32>,
      %swap3A_84 = arith.index_cast %scan3A_74 : i32 to index
      %swap3A_85 = arith.constant 48 : index
      %swap3A_86 = tpu.vector_load %arg7[%swap3A_84, %swap3A_85] {strides = array<i32>} : memref<48x128xf32, #tpu.memory_space<vmem>>, vector<16xf32>,
      tpu.vector_store %arg7[%swap3A_84, %swap3A_85], %broadcast_in_dim3A_10 {strides = array<i32>} : memref<48x128xf32, #tpu.memory_space<vmem>>, vector<16xf32>,
      %swap3A_87 = arith.index_cast %scan3A_74 : i32 to index
      %swap3A_88 = arith.constant 64 : index
      %swap3A_89 = tpu.vector_load %arg7[%swap3A_87, %swap3A_88] {strides = array<i32>} : memref<48x128xf32, #tpu.memory_space<vmem>>, vector<16xf32>,
      tpu.vector_store %arg7[%swap3A_87, %swap3A_88], %broadcast_in_dim3A_10 {strides = array<i32>} : memref<48x128xf32, #tpu.memory_space<vmem>>, vector<16xf32>,
      %swap3A_90 = arith.index_cast %scan3A_74 : i32 to index
      %swap3A_91 = arith.constant 80 : index
      %swap3A_92 = tpu.vector_load %arg7[%swap3A_90, %swap3A_91] {strides = array<i32>} : memref<48x128xf32, #tpu.memory_space<vmem>>, vector<16xf32>,
      tpu.vector_store %arg7[%swap3A_90, %swap3A_91], %broadcast_in_dim3A_10 {strides = array<i32>} : memref<48x128xf32, #tpu.memory_space<vmem>>, vector<16xf32>,
      %swap3A_93 = arith.index_cast %scan3A_74 : i32 to index
      %swap3A_94 = arith.constant 96 : index
      %swap3A_95 = tpu.vector_load %arg7[%swap3A_93, %swap3A_94] {strides = array<i32>} : memref<48x128xf32, #tpu.memory_space<vmem>>, vector<16xf32>,
      tpu.vector_store %arg7[%swap3A_93, %swap3A_94], %broadcast_in_dim3A_10 {strides = array<i32>} : memref<48x128xf32, #tpu.memory_space<vmem>>, vector<16xf32>,
      %swap3A_96 = arith.index_cast %scan3A_74 : i32 to index
      %swap3A_97 = arith.constant 112 : index
      %swap3A_98 = tpu.vector_load %arg7[%swap3A_96, %swap3A_97] {strides = array<i32>} : memref<48x128xf32, #tpu.memory_space<vmem>>, vector<16xf32>,
      tpu.vector_store %arg7[%swap3A_96, %swap3A_97], %broadcast_in_dim3A_10 {strides = array<i32>} : memref<48x128xf32, #tpu.memory_space<vmem>>, vector<16xf32>,
      %scan3A_99 = arith.constant 0 : i32
      scf.yield %scan3A_99 : i32
    }
    %scan3A_16 = arith.constant 48 : i32
    %scan3A_17 = arith.constant 0 : i32
    %scan3A_18 = arith.constant 0 : i32
    %scan3A_19 = arith.constant 13 : i32
    %scan3A_20 = arith.addi %scan3A_18, %scan3A_19 : i32
    %scan3A_21 = arith.constant 1 : i32
    %scan3A_22 = scf.for %scan3A_74 = %scan3A_18 to %scan3A_20 step %scan3A_21 iter_args(%scan3A_75 = %scan3A_17) -> (i32)  : i32 {
      %mul3A_76 = arith.constant 48 : i32
      %mul3A_77 = arith.muli %scan3A_74, %mul3A_76 : i32
      %add3A_78 = arith.addi %mul3A_4, %mul3A_77 : i32
      "tpu.region"() ({
        %run_scoped3A = tpu.sem_alloc : memref<!tpu.dma_semaphore, #tpu.memory_space<semaphore_mem>>
        %dma_start3A_80 = arith.constant 0 : i32
        %dma_start3A_81 = tpu.memref_slice %arg12[%add3A_78, %dma_start3A_80] : memref<10000x128xf32, #tpu.memory_space<vmem_shared>> -> memref<48x128xf32, #tpu.memory_space<vmem_shared>>
        %dma_start3A_82 = arith.constant 0 : i32
        %dma_start3A_83 = tpu.memref_slice %arg12[%add3A_78, %dma_start3A_82] : memref<10000x128xf32, #tpu.memory_space<vmem_shared>> -> memref<48x128xf32, #tpu.memory_space<vmem_shared>>
        tpu.enqueue_dma source(%arg7 : memref<48x128xf32, #tpu.memory_space<vmem>>) target(%dma_start3A_83 : memref<48x128xf32, #tpu.memory_space<vmem_shared>>) target_semaphore(%run_scoped3A : memref<!tpu.dma_semaphore, #tpu.memory_space<semaphore_mem>>)
        %dma_wait3A_84 = arith.constant 0 : i32
        %dma_wait3A_85 = tpu.memref_slice %arg12[%add3A_78, %dma_wait3A_84] : memref<10000x128xf32, #tpu.memory_space<vmem_shared>> -> memref<48x128xf32, #tpu.memory_space<vmem_shared>>
        %dma_wait3A_86 = arith.constant 0 : i32
        %dma_wait3A_87 = tpu.memref_slice %arg12[%add3A_78, %dma_wait3A_86] : memref<10000x128xf32, #tpu.memory_space<vmem_shared>> -> memref<48x128xf32, #tpu.memory_space<vmem_shared>>
        tpu.wait_dma2 semaphore(%run_scoped3A : memref<!tpu.dma_semaphore, #tpu.memory_space<semaphore_mem>>) src(%arg7 : memref<48x128xf32, #tpu.memory_space<vmem>>) dst(%dma_wait3A_87 : memref<48x128xf32, #tpu.memory_space<vmem_shared>>)
        tpu.yield
      }) : () -> ()
      %scan3A_79 = arith.constant 0 : i32
      scf.yield %scan3A_79 : i32
    }
    %scan3A_23 = arith.constant 13 : i32
    %add3A_24 = arith.constant 640 : i32
    %add3A_25 = arith.addi %mul3A_4, %add3A_24 : i32
    %sub3A = arith.constant 16 : i32
    %sub3A_26 = arith.subi %add3A_25, %sub3A : i32
    "tpu.region"() ({
      %run_scoped3A = tpu.sem_alloc : memref<!tpu.dma_semaphore, #tpu.memory_space<semaphore_mem>>
      %dma_start3A_74 = arith.constant 0 : i32
      %dma_start3A_75 = arith.constant 0 : i32
      %dma_start3A_76 = tpu.memref_slice %arg7[%dma_start3A_74, %dma_start3A_75] : memref<48x128xf32, #tpu.memory_space<vmem>> -> memref<16x128xf32, #tpu.memory_space<vmem>>
      %dma_start3A_77 = arith.constant 0 : i32
      %dma_start3A_78 = tpu.memref_slice %arg12[%sub3A_26, %dma_start3A_77] : memref<10000x128xf32, #tpu.memory_space<vmem_shared>> -> memref<16x128xf32, #tpu.memory_space<vmem_shared>>
      %dma_start3A_79 = arith.constant 0 : i32
      %dma_start3A_80 = tpu.memref_slice %arg12[%sub3A_26, %dma_start3A_79] : memref<10000x128xf32, #tpu.memory_space<vmem_shared>> -> memref<16x128xf32, #tpu.memory_space<vmem_shared>>
      %dma_start3A_81 = arith.constant 0 : i32
      %dma_start3A_82 = arith.constant 0 : i32
      %dma_start3A_83 = tpu.memref_slice %arg7[%dma_start3A_81, %dma_start3A_82] : memref<48x128xf32, #tpu.memory_space<vmem>> -> memref<16x128xf32, #tpu.memory_space<vmem>>
      tpu.enqueue_dma source(%dma_start3A_83 : memref<16x128xf32, #tpu.memory_space<vmem>>) target(%dma_start3A_80 : memref<16x128xf32, #tpu.memory_space<vmem_shared>>) target_semaphore(%run_scoped3A : memref<!tpu.dma_semaphore, #tpu.memory_space<semaphore_mem>>)
      %dma_wait3A_84 = arith.constant 0 : i32
      %dma_wait3A_85 = arith.constant 0 : i32
      %dma_wait3A_86 = tpu.memref_slice %arg7[%dma_wait3A_84, %dma_wait3A_85] : memref<48x128xf32, #tpu.memory_space<vmem>> -> memref<16x128xf32, #tpu.memory_space<vmem>>
      %dma_wait3A_87 = arith.constant 0 : i32
      %dma_wait3A_88 = tpu.memref_slice %arg12[%sub3A_26, %dma_wait3A_87] : memref<10000x128xf32, #tpu.memory_space<vmem_shared>> -> memref<16x128xf32, #tpu.memory_space<vmem_shared>>
      %dma_wait3A_89 = arith.constant 0 : i32
      %dma_wait3A_90 = tpu.memref_slice %arg12[%sub3A_26, %dma_wait3A_89] : memref<10000x128xf32, #tpu.memory_space<vmem_shared>> -> memref<16x128xf32, #tpu.memory_space<vmem_shared>>
      %dma_wait3A_91 = arith.constant 0 : i32
      %dma_wait3A_92 = arith.constant 0 : i32
      %dma_wait3A_93 = tpu.memref_slice %arg7[%dma_wait3A_91, %dma_wait3A_92] : memref<48x128xf32, #tpu.memory_space<vmem>> -> memref<16x128xf32, #tpu.memory_space<vmem>>
      tpu.wait_dma2 semaphore(%run_scoped3A : memref<!tpu.dma_semaphore, #tpu.memory_space<semaphore_mem>>) src(%dma_wait3A_93 : memref<16x128xf32, #tpu.memory_space<vmem>>) dst(%dma_wait3A_90 : memref<16x128xf32, #tpu.memory_space<vmem_shared>>)
      tpu.yield
    }) : () -> ()
    %dma_wait3A = tpu.memref_slice %arg2[%mul3A_2] : memref<640000xi32, #tpu.memory_space<hbm>> -> memref<10000xi32, #tpu.memory_space<hbm>>
    %dma_wait3A_27 = tpu.memref_slice %arg2[%mul3A_2] : memref<640000xi32, #tpu.memory_space<hbm>> -> memref<10000xi32, #tpu.memory_space<hbm>>
    tpu.wait_dma2 semaphore(%arg15 : memref<!tpu.dma_semaphore, #tpu.memory_space<semaphore_mem>>) src(%dma_wait3A_27 : memref<10000xi32, #tpu.memory_space<hbm>>) dst(%arg5 : memref<10000xi32, #tpu.memory_space<vmem>>)
    %dma_wait3A_28 = tpu.memref_slice %arg2[%add3A_7] : memref<640000xi32, #tpu.memory_space<hbm>> -> memref<10000xi32, #tpu.memory_space<hbm>>
    %dma_wait3A_29 = tpu.memref_slice %arg2[%add3A_7] : memref<640000xi32, #tpu.memory_space<hbm>> -> memref<10000xi32, #tpu.memory_space<hbm>>
    tpu.wait_dma2 semaphore(%arg16 : memref<!tpu.dma_semaphore, #tpu.memory_space<semaphore_mem>>) src(%dma_wait3A_29 : memref<10000xi32, #tpu.memory_space<hbm>>) dst(%arg6 : memref<10000xi32, #tpu.memory_space<vmem>>)
    %barrier3A = arith.constant 0 : index
    tpu.barrier barrier_id(%barrier3A)
    %dma_start3A_30 = arith.constant 0 : i32
    %dma_start3A_31 = tpu.memref_slice %arg5[%dma_start3A_30] : memref<10000xi32, #tpu.memory_space<vmem>> -> memref<48xi32, #tpu.memory_space<vmem>>
    %dma_start3A_32 = arith.constant 0 : i32
    %dma_start3A_33 = arith.constant 0 : i32
    %dma_start3A_34 = tpu.memref_slice %arg3[%dma_start3A_32, %dma_start3A_33] : memref<10000x128xf32, #tpu.memory_space<hbm>> -> memref<10000x128xf32, #tpu.memory_space<hbm>>
    tpu.enqueue_indirect_dma source(%dma_start3A_34 : memref<10000x128xf32, #tpu.memory_space<hbm>>) target(%arg7 : memref<48x128xf32, #tpu.memory_space<vmem>>) offsets(%dma_start3A_31 : memref<48xi32, #tpu.memory_space<vmem>>) semaphore(%arg13 : memref<!tpu.dma_semaphore, #tpu.memory_space<semaphore_mem>>)
    %dma_start3A_35 = arith.constant 48 : i32
    %dma_start3A_36 = tpu.memref_slice %arg5[%dma_start3A_35] : memref<10000xi32, #tpu.memory_space<vmem>> -> memref<48xi32, #tpu.memory_space<vmem>>
    %dma_start3A_37 = arith.constant 0 : i32
    %dma_start3A_38 = arith.constant 0 : i32
    %dma_start3A_39 = tpu.memref_slice %arg3[%dma_start3A_37, %dma_start3A_38] : memref<10000x128xf32, #tpu.memory_space<hbm>> -> memref<10000x128xf32, #tpu.memory_space<hbm>>
    tpu.enqueue_indirect_dma source(%dma_start3A_39 : memref<10000x128xf32, #tpu.memory_space<hbm>>) target(%arg8 : memref<48x128xf32, #tpu.memory_space<vmem>>) offsets(%dma_start3A_36 : memref<48xi32, #tpu.memory_space<vmem>>) semaphore(%arg14 : memref<!tpu.dma_semaphore, #tpu.memory_space<semaphore_mem>>)
    %dma_start3A_40 = arith.constant 96 : i32
    %dma_start3A_41 = tpu.memref_slice %arg5[%dma_start3A_40] : memref<10000xi32, #tpu.memory_space<vmem>> -> memref<48xi32, #tpu.memory_space<vmem>>
    %dma_start3A_42 = arith.constant 0 : i32
    %dma_start3A_43 = arith.constant 0 : i32
    %dma_start3A_44 = tpu.memref_slice %arg3[%dma_start3A_42, %dma_start3A_43] : memref<10000x128xf32, #tpu.memory_space<hbm>> -> memref<10000x128xf32, #tpu.memory_space<hbm>>
    tpu.enqueue_indirect_dma source(%dma_start3A_44 : memref<10000x128xf32, #tpu.memory_space<hbm>>) target(%arg9 : memref<48x128xf32, #tpu.memory_space<vmem>>) offsets(%dma_start3A_41 : memref<48xi32, #tpu.memory_space<vmem>>) semaphore(%arg15 : memref<!tpu.dma_semaphore, #tpu.memory_space<semaphore_mem>>)
    %dma_start3A_45 = arith.constant 144 : i32
    %dma_start3A_46 = tpu.memref_slice %arg5[%dma_start3A_45] : memref<10000xi32, #tpu.memory_space<vmem>> -> memref<48xi32, #tpu.memory_space<vmem>>
    %dma_start3A_47 = arith.constant 0 : i32
    %dma_start3A_48 = arith.constant 0 : i32
    %dma_start3A_49 = tpu.memref_slice %arg3[%dma_start3A_47, %dma_start3A_48] : memref<10000x128xf32, #tpu.memory_space<hbm>> -> memref<10000x128xf32, #tpu.memory_space<hbm>>
    tpu.enqueue_indirect_dma source(%dma_start3A_49 : memref<10000x128xf32, #tpu.memory_space<hbm>>) target(%arg10 : memref<48x128xf32, #tpu.memory_space<vmem>>) offsets(%dma_start3A_46 : memref<48xi32, #tpu.memory_space<vmem>>) semaphore(%arg16 : memref<!tpu.dma_semaphore, #tpu.memory_space<semaphore_mem>>)
    %scan3A_50 = arith.constant 0 : i32
    %scan3A_51 = arith.constant 0 : i32
    %scan3A_52 = arith.constant 208 : i32
    %scan3A_53 = arith.addi %scan3A_51, %scan3A_52 : i32
    %scan3A_54 = arith.constant 1 : i32
    %scan3A_55 = scf.for %scan3A_74 = %scan3A_51 to %scan3A_53 step %scan3A_54 iter_args(%scan3A_75 = %scan3A_50) -> (i32)  : i32 {
      %jit3A = arith.constant 5 : i32
      %eq3A = arith.constant 0 : i32
      %eq3A_76 = arith.cmpi eq, %jit3A, %eq3A : i32
      %jit3A_77 = arith.constant 1 : i32
      %select_n3A = arith.select %eq3A_76, %jit3A_77, %jit3A : i32
      %rem3A = arith.remsi %scan3A_74, %select_n3A : i32
      %ne3A = arith.constant 0 : i32
      %ne3A_78 = arith.cmpi ne, %rem3A, %ne3A : i32
      %lt3A = arith.constant 0 : i32
      %lt3A_79 = arith.cmpi slt, %rem3A, %lt3A : i32
      %lt3A_80 = arith.constant 0 : i32
      %lt3A_81 = arith.cmpi slt, %select_n3A, %lt3A_80 : i32
      %ne3A_82 = arith.xori %lt3A_79, %lt3A_81 : i1
      %and3A = arith.andi %ne3A_82, %ne3A_78 : i1
      %add3A_83 = arith.addi %rem3A, %select_n3A : i32
      %select_n3A_84 = arith.select %and3A, %add3A_83, %rem3A : i32
      %eq3A_85 = arith.constant 0 : i32
      %eq3A_86 = arith.cmpi eq, %select_n3A_84, %eq3A_85 : i32
      %convert_element_type3A = arith.extui %eq3A_86 : i1 to i32
      %cond3A = arith.constant 0 : i32
      %cond3A_87 = arith.cmpi ne, %convert_element_type3A, %cond3A : i32
      scf.if %cond3A_87 {
        %dma_wait3A_173 = arith.constant 0 : i32
        %dma_wait3A_174 = arith.constant 0 : i32
        %dma_wait3A_175 = tpu.memref_slice %arg3[%dma_wait3A_173, %dma_wait3A_174] : memref<10000x128xf32, #tpu.memory_space<hbm>> -> memref<48x128xf32, #tpu.memory_space<hbm>>
        %dma_wait3A_176 = arith.constant 0 : i32
        %dma_wait3A_177 = arith.constant 0 : i32
        %dma_wait3A_178 = tpu.memref_slice %arg3[%dma_wait3A_176, %dma_wait3A_177] : memref<10000x128xf32, #tpu.memory_space<hbm>> -> memref<48x128xf32, #tpu.memory_space<hbm>>
        tpu.wait_dma2 semaphore(%arg13 : memref<!tpu.dma_semaphore, #tpu.memory_space<semaphore_mem>>) src(%dma_wait3A_178 : memref<48x128xf32, #tpu.memory_space<hbm>>) dst(%arg7 : memref<48x128xf32, #tpu.memory_space<vmem>>)
        %add3A_179 = arith.constant 4 : i32
        %add3A_180 = arith.addi %scan3A_74, %add3A_179 : i32
        %lt3A_181 = arith.constant 208 : i32
        %lt3A_182 = arith.cmpi slt, %add3A_180, %lt3A_181 : i32
        %convert_element_type3A_183 = arith.extui %lt3A_182 : i1 to i32
        %cond3A_184 = arith.constant 0 : i32
        %cond3A_185 = arith.cmpi ne, %convert_element_type3A_183, %cond3A_184 : i32
        scf.if %cond3A_185 {
          %add3A_188 = arith.constant 4 : i32
          %add3A_189 = arith.addi %scan3A_74, %add3A_188 : i32
          %mul3A_190 = arith.constant 48 : i32
          %mul3A_191 = arith.muli %add3A_189, %mul3A_190 : i32
          %dma_start3A_192 = tpu.memref_slice %arg5[%mul3A_191] : memref<10000xi32, #tpu.memory_space<vmem>> -> memref<48xi32, #tpu.memory_space<vmem>>
          %dma_start3A_193 = arith.constant 0 : i32
          %dma_start3A_194 = arith.constant 0 : i32
          %dma_start3A_195 = tpu.memref_slice %arg3[%dma_start3A_193, %dma_start3A_194] : memref<10000x128xf32, #tpu.memory_space<hbm>> -> memref<10000x128xf32, #tpu.memory_space<hbm>>
          tpu.enqueue_indirect_dma source(%dma_start3A_195 : memref<10000x128xf32, #tpu.memory_space<hbm>>) target(%arg11 : memref<48x128xf32, #tpu.memory_space<vmem>>) offsets(%dma_start3A_192 : memref<48xi32, #tpu.memory_space<vmem>>) semaphore(%arg17 : memref<!tpu.dma_semaphore, #tpu.memory_space<semaphore_mem>>)
        } else {
        }
        %mul3A_186 = arith.constant 48 : i32
        %mul3A_187 = arith.muli %scan3A_74, %mul3A_186 : i32
        "tpu.region"() ({
          %run_scoped3A = tpu.sem_alloc : memref<!tpu.dma_semaphore, #tpu.memory_space<semaphore_mem>>
          %dma_start3A_188 = tpu.memref_slice %arg6[%mul3A_187] : memref<10000xi32, #tpu.memory_space<vmem>> -> memref<48xi32, #tpu.memory_space<vmem>>
          %dma_start3A_189 = arith.constant 0 : i32
          %dma_start3A_190 = arith.constant 0 : i32
          %dma_start3A_191 = tpu.memref_slice %arg12[%dma_start3A_189, %dma_start3A_190] : memref<10000x128xf32, #tpu.memory_space<vmem_shared>> -> memref<10000x128xf32, #tpu.memory_space<vmem_shared>>
          tpu.enqueue_indirect_dma source(%arg7 : memref<48x128xf32, #tpu.memory_space<vmem>>) target(%dma_start3A_191 : memref<10000x128xf32, #tpu.memory_space<vmem_shared>>) offsets(%dma_start3A_188 : memref<48xi32, #tpu.memory_space<vmem>>) semaphore(%run_scoped3A : memref<!tpu.dma_semaphore, #tpu.memory_space<semaphore_mem>>) {add = true}
          %dma_wait3A_192 = tpu.memref_slice %arg6[%mul3A_187] : memref<10000xi32, #tpu.memory_space<vmem>> -> memref<48xi32, #tpu.memory_space<vmem>>
          %dma_wait3A_193 = arith.constant 0 : i32
          %dma_wait3A_194 = arith.constant 0 : i32
          %dma_wait3A_195 = tpu.memref_slice %arg12[%dma_wait3A_193, %dma_wait3A_194] : memref<10000x128xf32, #tpu.memory_space<vmem_shared>> -> memref<10000x128xf32, #tpu.memory_space<vmem_shared>>
          tpu.wait_indirect_dma semaphore(%run_scoped3A : memref<!tpu.dma_semaphore, #tpu.memory_space<semaphore_mem>>) src(%arg7 : memref<48x128xf32, #tpu.memory_space<vmem>>) dst(%dma_wait3A_195 : memref<10000x128xf32, #tpu.memory_space<vmem_shared>>)
          tpu.yield
        }) : () -> ()
      } else {
      }
      %jit3A_88 = arith.constant 5 : i32
      %eq3A_89 = arith.constant 0 : i32
      %eq3A_90 = arith.cmpi eq, %jit3A_88, %eq3A_89 : i32
      %jit3A_91 = arith.constant 1 : i32
      %select_n3A_92 = arith.select %eq3A_90, %jit3A_91, %jit3A_88 : i32
      %rem3A_93 = arith.remsi %scan3A_74, %select_n3A_92 : i32
      %ne3A_94 = arith.constant 0 : i32
      %ne3A_95 = arith.cmpi ne, %rem3A_93, %ne3A_94 : i32
      %lt3A_96 = arith.constant 0 : i32
      %lt3A_97 = arith.cmpi slt, %rem3A_93, %lt3A_96 : i32
      %lt3A_98 = arith.constant 0 : i32
      %lt3A_99 = arith.cmpi slt, %select_n3A_92, %lt3A_98 : i32
      %ne3A_100 = arith.xori %lt3A_97, %lt3A_99 : i1
      %and3A_101 = arith.andi %ne3A_100, %ne3A_95 : i1
      %add3A_102 = arith.addi %rem3A_93, %select_n3A_92 : i32
      %select_n3A_103 = arith.select %and3A_101, %add3A_102, %rem3A_93 : i32
      %eq3A_104 = arith.constant 1 : i32
      %eq3A_105 = arith.cmpi eq, %select_n3A_103, %eq3A_104 : i32
      %convert_element_type3A_106 = arith.extui %eq3A_105 : i1 to i32
      %cond3A_107 = arith.constant 0 : i32
      %cond3A_108 = arith.cmpi ne, %convert_element_type3A_106, %cond3A_107 : i32
      scf.if %cond3A_108 {
        %dma_wait3A_173 = arith.constant 0 : i32
        %dma_wait3A_174 = arith.constant 0 : i32
        %dma_wait3A_175 = tpu.memref_slice %arg3[%dma_wait3A_173, %dma_wait3A_174] : memref<10000x128xf32, #tpu.memory_space<hbm>> -> memref<48x128xf32, #tpu.memory_space<hbm>>
        %dma_wait3A_176 = arith.constant 0 : i32
        %dma_wait3A_177 = arith.constant 0 : i32
        %dma_wait3A_178 = tpu.memref_slice %arg3[%dma_wait3A_176, %dma_wait3A_177] : memref<10000x128xf32, #tpu.memory_space<hbm>> -> memref<48x128xf32, #tpu.memory_space<hbm>>
        tpu.wait_dma2 semaphore(%arg14 : memref<!tpu.dma_semaphore, #tpu.memory_space<semaphore_mem>>) src(%dma_wait3A_178 : memref<48x128xf32, #tpu.memory_space<hbm>>) dst(%arg8 : memref<48x128xf32, #tpu.memory_space<vmem>>)
        %add3A_179 = arith.constant 4 : i32
        %add3A_180 = arith.addi %scan3A_74, %add3A_179 : i32
        %lt3A_181 = arith.constant 208 : i32
        %lt3A_182 = arith.cmpi slt, %add3A_180, %lt3A_181 : i32
        %convert_element_type3A_183 = arith.extui %lt3A_182 : i1 to i32
        %cond3A_184 = arith.constant 0 : i32
        %cond3A_185 = arith.cmpi ne, %convert_element_type3A_183, %cond3A_184 : i32
        scf.if %cond3A_185 {
          %add3A_188 = arith.constant 4 : i32
          %add3A_189 = arith.addi %scan3A_74, %add3A_188 : i32
          %mul3A_190 = arith.constant 48 : i32
          %mul3A_191 = arith.muli %add3A_189, %mul3A_190 : i32
          %dma_start3A_192 = tpu.memref_slice %arg5[%mul3A_191] : memref<10000xi32, #tpu.memory_space<vmem>> -> memref<48xi32, #tpu.memory_space<vmem>>
          %dma_start3A_193 = arith.constant 0 : i32
          %dma_start3A_194 = arith.constant 0 : i32
          %dma_start3A_195 = tpu.memref_slice %arg3[%dma_start3A_193, %dma_start3A_194] : memref<10000x128xf32, #tpu.memory_space<hbm>> -> memref<10000x128xf32, #tpu.memory_space<hbm>>
          tpu.enqueue_indirect_dma source(%dma_start3A_195 : memref<10000x128xf32, #tpu.memory_space<hbm>>) target(%arg7 : memref<48x128xf32, #tpu.memory_space<vmem>>) offsets(%dma_start3A_192 : memref<48xi32, #tpu.memory_space<vmem>>) semaphore(%arg13 : memref<!tpu.dma_semaphore, #tpu.memory_space<semaphore_mem>>)
        } else {
        }
        %mul3A_186 = arith.constant 48 : i32
        %mul3A_187 = arith.muli %scan3A_74, %mul3A_186 : i32
        "tpu.region"() ({
          %run_scoped3A = tpu.sem_alloc : memref<!tpu.dma_semaphore, #tpu.memory_space<semaphore_mem>>
          %dma_start3A_188 = tpu.memref_slice %arg6[%mul3A_187] : memref<10000xi32, #tpu.memory_space<vmem>> -> memref<48xi32, #tpu.memory_space<vmem>>
          %dma_start3A_189 = arith.constant 0 : i32
          %dma_start3A_190 = arith.constant 0 : i32
          %dma_start3A_191 = tpu.memref_slice %arg12[%dma_start3A_189, %dma_start3A_190] : memref<10000x128xf32, #tpu.memory_space<vmem_shared>> -> memref<10000x128xf32, #tpu.memory_space<vmem_shared>>
          tpu.enqueue_indirect_dma source(%arg8 : memref<48x128xf32, #tpu.memory_space<vmem>>) target(%dma_start3A_191 : memref<10000x128xf32, #tpu.memory_space<vmem_shared>>) offsets(%dma_start3A_188 : memref<48xi32, #tpu.memory_space<vmem>>) semaphore(%run_scoped3A : memref<!tpu.dma_semaphore, #tpu.memory_space<semaphore_mem>>) {add = true}
          %dma_wait3A_192 = tpu.memref_slice %arg6[%mul3A_187] : memref<10000xi32, #tpu.memory_space<vmem>> -> memref<48xi32, #tpu.memory_space<vmem>>
          %dma_wait3A_193 = arith.constant 0 : i32
          %dma_wait3A_194 = arith.constant 0 : i32
          %dma_wait3A_195 = tpu.memref_slice %arg12[%dma_wait3A_193, %dma_wait3A_194] : memref<10000x128xf32, #tpu.memory_space<vmem_shared>> -> memref<10000x128xf32, #tpu.memory_space<vmem_shared>>
          tpu.wait_indirect_dma semaphore(%run_scoped3A : memref<!tpu.dma_semaphore, #tpu.memory_space<semaphore_mem>>) src(%arg8 : memref<48x128xf32, #tpu.memory_space<vmem>>) dst(%dma_wait3A_195 : memref<10000x128xf32, #tpu.memory_space<vmem_shared>>)
          tpu.yield
        }) : () -> ()
      } else {
      }
      %jit3A_109 = arith.constant 5 : i32
      %eq3A_110 = arith.constant 0 : i32
      %eq3A_111 = arith.cmpi eq, %jit3A_109, %eq3A_110 : i32
      %jit3A_112 = arith.constant 1 : i32
      %select_n3A_113 = arith.select %eq3A_111, %jit3A_112, %jit3A_109 : i32
      %rem3A_114 = arith.remsi %scan3A_74, %select_n3A_113 : i32
      %ne3A_115 = arith.constant 0 : i32
      %ne3A_116 = arith.cmpi ne, %rem3A_114, %ne3A_115 : i32
      %lt3A_117 = arith.constant 0 : i32
      %lt3A_118 = arith.cmpi slt, %rem3A_114, %lt3A_117 : i32
      %lt3A_119 = arith.constant 0 : i32
      %lt3A_120 = arith.cmpi slt, %select_n3A_113, %lt3A_119 : i32
      %ne3A_121 = arith.xori %lt3A_118, %lt3A_120 : i1
      %and3A_122 = arith.andi %ne3A_121, %ne3A_116 : i1
      %add3A_123 = arith.addi %rem3A_114, %select_n3A_113 : i32
      %select_n3A_124 = arith.select %and3A_122, %add3A_123, %rem3A_114 : i32
      %eq3A_125 = arith.constant 2 : i32
      %eq3A_126 = arith.cmpi eq, %select_n3A_124, %eq3A_125 : i32
      %convert_element_type3A_127 = arith.extui %eq3A_126 : i1 to i32
      %cond3A_128 = arith.constant 0 : i32
      %cond3A_129 = arith.cmpi ne, %convert_element_type3A_127, %cond3A_128 : i32
      scf.if %cond3A_129 {
        %dma_wait3A_173 = arith.constant 0 : i32
        %dma_wait3A_174 = arith.constant 0 : i32
        %dma_wait3A_175 = tpu.memref_slice %arg3[%dma_wait3A_173, %dma_wait3A_174] : memref<10000x128xf32, #tpu.memory_space<hbm>> -> memref<48x128xf32, #tpu.memory_space<hbm>>
        %dma_wait3A_176 = arith.constant 0 : i32
        %dma_wait3A_177 = arith.constant 0 : i32
        %dma_wait3A_178 = tpu.memref_slice %arg3[%dma_wait3A_176, %dma_wait3A_177] : memref<10000x128xf32, #tpu.memory_space<hbm>> -> memref<48x128xf32, #tpu.memory_space<hbm>>
        tpu.wait_dma2 semaphore(%arg15 : memref<!tpu.dma_semaphore, #tpu.memory_space<semaphore_mem>>) src(%dma_wait3A_178 : memref<48x128xf32, #tpu.memory_space<hbm>>) dst(%arg9 : memref<48x128xf32, #tpu.memory_space<vmem>>)
        %add3A_179 = arith.constant 4 : i32
        %add3A_180 = arith.addi %scan3A_74, %add3A_179 : i32
        %lt3A_181 = arith.constant 208 : i32
        %lt3A_182 = arith.cmpi slt, %add3A_180, %lt3A_181 : i32
        %convert_element_type3A_183 = arith.extui %lt3A_182 : i1 to i32
        %cond3A_184 = arith.constant 0 : i32
        %cond3A_185 = arith.cmpi ne, %convert_element_type3A_183, %cond3A_184 : i32
        scf.if %cond3A_185 {
          %add3A_188 = arith.constant 4 : i32
          %add3A_189 = arith.addi %scan3A_74, %add3A_188 : i32
          %mul3A_190 = arith.constant 48 : i32
          %mul3A_191 = arith.muli %add3A_189, %mul3A_190 : i32
          %dma_start3A_192 = tpu.memref_slice %arg5[%mul3A_191] : memref<10000xi32, #tpu.memory_space<vmem>> -> memref<48xi32, #tpu.memory_space<vmem>>
          %dma_start3A_193 = arith.constant 0 : i32
          %dma_start3A_194 = arith.constant 0 : i32
          %dma_start3A_195 = tpu.memref_slice %arg3[%dma_start3A_193, %dma_start3A_194] : memref<10000x128xf32, #tpu.memory_space<hbm>> -> memref<10000x128xf32, #tpu.memory_space<hbm>>
          tpu.enqueue_indirect_dma source(%dma_start3A_195 : memref<10000x128xf32, #tpu.memory_space<hbm>>) target(%arg8 : memref<48x128xf32, #tpu.memory_space<vmem>>) offsets(%dma_start3A_192 : memref<48xi32, #tpu.memory_space<vmem>>) semaphore(%arg14 : memref<!tpu.dma_semaphore, #tpu.memory_space<semaphore_mem>>)
        } else {
        }
        %mul3A_186 = arith.constant 48 : i32
        %mul3A_187 = arith.muli %scan3A_74, %mul3A_186 : i32
        "tpu.region"() ({
          %run_scoped3A = tpu.sem_alloc : memref<!tpu.dma_semaphore, #tpu.memory_space<semaphore_mem>>
          %dma_start3A_188 = tpu.memref_slice %arg6[%mul3A_187] : memref<10000xi32, #tpu.memory_space<vmem>> -> memref<48xi32, #tpu.memory_space<vmem>>
          %dma_start3A_189 = arith.constant 0 : i32
          %dma_start3A_190 = arith.constant 0 : i32
          %dma_start3A_191 = tpu.memref_slice %arg12[%dma_start3A_189, %dma_start3A_190] : memref<10000x128xf32, #tpu.memory_space<vmem_shared>> -> memref<10000x128xf32, #tpu.memory_space<vmem_shared>>
          tpu.enqueue_indirect_dma source(%arg9 : memref<48x128xf32, #tpu.memory_space<vmem>>) target(%dma_start3A_191 : memref<10000x128xf32, #tpu.memory_space<vmem_shared>>) offsets(%dma_start3A_188 : memref<48xi32, #tpu.memory_space<vmem>>) semaphore(%run_scoped3A : memref<!tpu.dma_semaphore, #tpu.memory_space<semaphore_mem>>) {add = true}
          %dma_wait3A_192 = tpu.memref_slice %arg6[%mul3A_187] : memref<10000xi32, #tpu.memory_space<vmem>> -> memref<48xi32, #tpu.memory_space<vmem>>
          %dma_wait3A_193 = arith.constant 0 : i32
          %dma_wait3A_194 = arith.constant 0 : i32
          %dma_wait3A_195 = tpu.memref_slice %arg12[%dma_wait3A_193, %dma_wait3A_194] : memref<10000x128xf32, #tpu.memory_space<vmem_shared>> -> memref<10000x128xf32, #tpu.memory_space<vmem_shared>>
          tpu.wait_indirect_dma semaphore(%run_scoped3A : memref<!tpu.dma_semaphore, #tpu.memory_space<semaphore_mem>>) src(%arg9 : memref<48x128xf32, #tpu.memory_space<vmem>>) dst(%dma_wait3A_195 : memref<10000x128xf32, #tpu.memory_space<vmem_shared>>)
          tpu.yield
        }) : () -> ()
      } else {
      }
      %jit3A_130 = arith.constant 5 : i32
      %eq3A_131 = arith.constant 0 : i32
      %eq3A_132 = arith.cmpi eq, %jit3A_130, %eq3A_131 : i32
      %jit3A_133 = arith.constant 1 : i32
      %select_n3A_134 = arith.select %eq3A_132, %jit3A_133, %jit3A_130 : i32
      %rem3A_135 = arith.remsi %scan3A_74, %select_n3A_134 : i32
      %ne3A_136 = arith.constant 0 : i32
      %ne3A_137 = arith.cmpi ne, %rem3A_135, %ne3A_136 : i32
      %lt3A_138 = arith.constant 0 : i32
      %lt3A_139 = arith.cmpi slt, %rem3A_135, %lt3A_138 : i32
      %lt3A_140 = arith.constant 0 : i32
      %lt3A_141 = arith.cmpi slt, %select_n3A_134, %lt3A_140 : i32
      %ne3A_142 = arith.xori %lt3A_139, %lt3A_141 : i1
      %and3A_143 = arith.andi %ne3A_142, %ne3A_137 : i1
      %add3A_144 = arith.addi %rem3A_135, %select_n3A_134 : i32
      %select_n3A_145 = arith.select %and3A_143, %add3A_144, %rem3A_135 : i32
      %eq3A_146 = arith.constant 3 : i32
      %eq3A_147 = arith.cmpi eq, %select_n3A_145, %eq3A_146 : i32
      %convert_element_type3A_148 = arith.extui %eq3A_147 : i1 to i32
      %cond3A_149 = arith.constant 0 : i32
      %cond3A_150 = arith.cmpi ne, %convert_element_type3A_148, %cond3A_149 : i32
      scf.if %cond3A_150 {
        %dma_wait3A_173 = arith.constant 0 : i32
        %dma_wait3A_174 = arith.constant 0 : i32
        %dma_wait3A_175 = tpu.memref_slice %arg3[%dma_wait3A_173, %dma_wait3A_174] : memref<10000x128xf32, #tpu.memory_space<hbm>> -> memref<48x128xf32, #tpu.memory_space<hbm>>
        %dma_wait3A_176 = arith.constant 0 : i32
        %dma_wait3A_177 = arith.constant 0 : i32
        %dma_wait3A_178 = tpu.memref_slice %arg3[%dma_wait3A_176, %dma_wait3A_177] : memref<10000x128xf32, #tpu.memory_space<hbm>> -> memref<48x128xf32, #tpu.memory_space<hbm>>
        tpu.wait_dma2 semaphore(%arg16 : memref<!tpu.dma_semaphore, #tpu.memory_space<semaphore_mem>>) src(%dma_wait3A_178 : memref<48x128xf32, #tpu.memory_space<hbm>>) dst(%arg10 : memref<48x128xf32, #tpu.memory_space<vmem>>)
        %add3A_179 = arith.constant 4 : i32
        %add3A_180 = arith.addi %scan3A_74, %add3A_179 : i32
        %lt3A_181 = arith.constant 208 : i32
        %lt3A_182 = arith.cmpi slt, %add3A_180, %lt3A_181 : i32
        %convert_element_type3A_183 = arith.extui %lt3A_182 : i1 to i32
        %cond3A_184 = arith.constant 0 : i32
        %cond3A_185 = arith.cmpi ne, %convert_element_type3A_183, %cond3A_184 : i32
        scf.if %cond3A_185 {
          %add3A_188 = arith.constant 4 : i32
          %add3A_189 = arith.addi %scan3A_74, %add3A_188 : i32
          %mul3A_190 = arith.constant 48 : i32
          %mul3A_191 = arith.muli %add3A_189, %mul3A_190 : i32
          %dma_start3A_192 = tpu.memref_slice %arg5[%mul3A_191] : memref<10000xi32, #tpu.memory_space<vmem>> -> memref<48xi32, #tpu.memory_space<vmem>>
          %dma_start3A_193 = arith.constant 0 : i32
          %dma_start3A_194 = arith.constant 0 : i32
          %dma_start3A_195 = tpu.memref_slice %arg3[%dma_start3A_193, %dma_start3A_194] : memref<10000x128xf32, #tpu.memory_space<hbm>> -> memref<10000x128xf32, #tpu.memory_space<hbm>>
          tpu.enqueue_indirect_dma source(%dma_start3A_195 : memref<10000x128xf32, #tpu.memory_space<hbm>>) target(%arg9 : memref<48x128xf32, #tpu.memory_space<vmem>>) offsets(%dma_start3A_192 : memref<48xi32, #tpu.memory_space<vmem>>) semaphore(%arg15 : memref<!tpu.dma_semaphore, #tpu.memory_space<semaphore_mem>>)
        } else {
        }
        %mul3A_186 = arith.constant 48 : i32
        %mul3A_187 = arith.muli %scan3A_74, %mul3A_186 : i32
        "tpu.region"() ({
          %run_scoped3A = tpu.sem_alloc : memref<!tpu.dma_semaphore, #tpu.memory_space<semaphore_mem>>
          %dma_start3A_188 = tpu.memref_slice %arg6[%mul3A_187] : memref<10000xi32, #tpu.memory_space<vmem>> -> memref<48xi32, #tpu.memory_space<vmem>>
          %dma_start3A_189 = arith.constant 0 : i32
          %dma_start3A_190 = arith.constant 0 : i32
          %dma_start3A_191 = tpu.memref_slice %arg12[%dma_start3A_189, %dma_start3A_190] : memref<10000x128xf32, #tpu.memory_space<vmem_shared>> -> memref<10000x128xf32, #tpu.memory_space<vmem_shared>>
          tpu.enqueue_indirect_dma source(%arg10 : memref<48x128xf32, #tpu.memory_space<vmem>>) target(%dma_start3A_191 : memref<10000x128xf32, #tpu.memory_space<vmem_shared>>) offsets(%dma_start3A_188 : memref<48xi32, #tpu.memory_space<vmem>>) semaphore(%run_scoped3A : memref<!tpu.dma_semaphore, #tpu.memory_space<semaphore_mem>>) {add = true}
          %dma_wait3A_192 = tpu.memref_slice %arg6[%mul3A_187] : memref<10000xi32, #tpu.memory_space<vmem>> -> memref<48xi32, #tpu.memory_space<vmem>>
          %dma_wait3A_193 = arith.constant 0 : i32
          %dma_wait3A_194 = arith.constant 0 : i32
          %dma_wait3A_195 = tpu.memref_slice %arg12[%dma_wait3A_193, %dma_wait3A_194] : memref<10000x128xf32, #tpu.memory_space<vmem_shared>> -> memref<10000x128xf32, #tpu.memory_space<vmem_shared>>
          tpu.wait_indirect_dma semaphore(%run_scoped3A : memref<!tpu.dma_semaphore, #tpu.memory_space<semaphore_mem>>) src(%arg10 : memref<48x128xf32, #tpu.memory_space<vmem>>) dst(%dma_wait3A_195 : memref<10000x128xf32, #tpu.memory_space<vmem_shared>>)
          tpu.yield
        }) : () -> ()
      } else {
      }
      %jit3A_151 = arith.constant 5 : i32
      %eq3A_152 = arith.constant 0 : i32
      %eq3A_153 = arith.cmpi eq, %jit3A_151, %eq3A_152 : i32
      %jit3A_154 = arith.constant 1 : i32
      %select_n3A_155 = arith.select %eq3A_153, %jit3A_154, %jit3A_151 : i32
      %rem3A_156 = arith.remsi %scan3A_74, %select_n3A_155 : i32
      %ne3A_157 = arith.constant 0 : i32
      %ne3A_158 = arith.cmpi ne, %rem3A_156, %ne3A_157 : i32
      %lt3A_159 = arith.constant 0 : i32
      %lt3A_160 = arith.cmpi slt, %rem3A_156, %lt3A_159 : i32
      %lt3A_161 = arith.constant 0 : i32
      %lt3A_162 = arith.cmpi slt, %select_n3A_155, %lt3A_161 : i32
      %ne3A_163 = arith.xori %lt3A_160, %lt3A_162 : i1
      %and3A_164 = arith.andi %ne3A_163, %ne3A_158 : i1
      %add3A_165 = arith.addi %rem3A_156, %select_n3A_155 : i32
      %select_n3A_166 = arith.select %and3A_164, %add3A_165, %rem3A_156 : i32
      %eq3A_167 = arith.constant 4 : i32
      %eq3A_168 = arith.cmpi eq, %select_n3A_166, %eq3A_167 : i32
      %convert_element_type3A_169 = arith.extui %eq3A_168 : i1 to i32
      %cond3A_170 = arith.constant 0 : i32
      %cond3A_171 = arith.cmpi ne, %convert_element_type3A_169, %cond3A_170 : i32
      scf.if %cond3A_171 {
        %dma_wait3A_173 = arith.constant 0 : i32
        %dma_wait3A_174 = arith.constant 0 : i32
        %dma_wait3A_175 = tpu.memref_slice %arg3[%dma_wait3A_173, %dma_wait3A_174] : memref<10000x128xf32, #tpu.memory_space<hbm>> -> memref<48x128xf32, #tpu.memory_space<hbm>>
        %dma_wait3A_176 = arith.constant 0 : i32
        %dma_wait3A_177 = arith.constant 0 : i32
        %dma_wait3A_178 = tpu.memref_slice %arg3[%dma_wait3A_176, %dma_wait3A_177] : memref<10000x128xf32, #tpu.memory_space<hbm>> -> memref<48x128xf32, #tpu.memory_space<hbm>>
        tpu.wait_dma2 semaphore(%arg17 : memref<!tpu.dma_semaphore, #tpu.memory_space<semaphore_mem>>) src(%dma_wait3A_178 : memref<48x128xf32, #tpu.memory_space<hbm>>) dst(%arg11 : memref<48x128xf32, #tpu.memory_space<vmem>>)
        %add3A_179 = arith.constant 4 : i32
        %add3A_180 = arith.addi %scan3A_74, %add3A_179 : i32
        %lt3A_181 = arith.constant 208 : i32
        %lt3A_182 = arith.cmpi slt, %add3A_180, %lt3A_181 : i32
        %convert_element_type3A_183 = arith.extui %lt3A_182 : i1 to i32
        %cond3A_184 = arith.constant 0 : i32
        %cond3A_185 = arith.cmpi ne, %convert_element_type3A_183, %cond3A_184 : i32
        scf.if %cond3A_185 {
          %add3A_188 = arith.constant 4 : i32
          %add3A_189 = arith.addi %scan3A_74, %add3A_188 : i32
          %mul3A_190 = arith.constant 48 : i32
          %mul3A_191 = arith.muli %add3A_189, %mul3A_190 : i32
          %dma_start3A_192 = tpu.memref_slice %arg5[%mul3A_191] : memref<10000xi32, #tpu.memory_space<vmem>> -> memref<48xi32, #tpu.memory_space<vmem>>
          %dma_start3A_193 = arith.constant 0 : i32
          %dma_start3A_194 = arith.constant 0 : i32
          %dma_start3A_195 = tpu.memref_slice %arg3[%dma_start3A_193, %dma_start3A_194] : memref<10000x128xf32, #tpu.memory_space<hbm>> -> memref<10000x128xf32, #tpu.memory_space<hbm>>
          tpu.enqueue_indirect_dma source(%dma_start3A_195 : memref<10000x128xf32, #tpu.memory_space<hbm>>) target(%arg10 : memref<48x128xf32, #tpu.memory_space<vmem>>) offsets(%dma_start3A_192 : memref<48xi32, #tpu.memory_space<vmem>>) semaphore(%arg16 : memref<!tpu.dma_semaphore, #tpu.memory_space<semaphore_mem>>)
        } else {
        }
        %mul3A_186 = arith.constant 48 : i32
        %mul3A_187 = arith.muli %scan3A_74, %mul3A_186 : i32
        "tpu.region"() ({
          %run_scoped3A = tpu.sem_alloc : memref<!tpu.dma_semaphore, #tpu.memory_space<semaphore_mem>>
          %dma_start3A_188 = tpu.memref_slice %arg6[%mul3A_187] : memref<10000xi32, #tpu.memory_space<vmem>> -> memref<48xi32, #tpu.memory_space<vmem>>
          %dma_start3A_189 = arith.constant 0 : i32
          %dma_start3A_190 = arith.constant 0 : i32
          %dma_start3A_191 = tpu.memref_slice %arg12[%dma_start3A_189, %dma_start3A_190] : memref<10000x128xf32, #tpu.memory_space<vmem_shared>> -> memref<10000x128xf32, #tpu.memory_space<vmem_shared>>
          tpu.enqueue_indirect_dma source(%arg11 : memref<48x128xf32, #tpu.memory_space<vmem>>) target(%dma_start3A_191 : memref<10000x128xf32, #tpu.memory_space<vmem_shared>>) offsets(%dma_start3A_188 : memref<48xi32, #tpu.memory_space<vmem>>) semaphore(%run_scoped3A : memref<!tpu.dma_semaphore, #tpu.memory_space<semaphore_mem>>) {add = true}
          %dma_wait3A_192 = tpu.memref_slice %arg6[%mul3A_187] : memref<10000xi32, #tpu.memory_space<vmem>> -> memref<48xi32, #tpu.memory_space<vmem>>
          %dma_wait3A_193 = arith.constant 0 : i32
          %dma_wait3A_194 = arith.constant 0 : i32
          %dma_wait3A_195 = tpu.memref_slice %arg12[%dma_wait3A_193, %dma_wait3A_194] : memref<10000x128xf32, #tpu.memory_space<vmem_shared>> -> memref<10000x128xf32, #tpu.memory_space<vmem_shared>>
          tpu.wait_indirect_dma semaphore(%run_scoped3A : memref<!tpu.dma_semaphore, #tpu.memory_space<semaphore_mem>>) src(%arg11 : memref<48x128xf32, #tpu.memory_space<vmem>>) dst(%dma_wait3A_195 : memref<10000x128xf32, #tpu.memory_space<vmem_shared>>)
          tpu.yield
        }) : () -> ()
      } else {
      }
      %scan3A_172 = arith.constant 0 : i32
      scf.yield %scan3A_172 : i32
    }
    %scan3A_56 = arith.constant 208 : i32
    %dma_start3A_57 = arith.constant 0 : i32
    %dma_start3A_58 = arith.constant 0 : i32
    %dma_start3A_59 = tpu.memref_slice %arg7[%dma_start3A_57, %dma_start3A_58] : memref<48x128xf32, #tpu.memory_space<vmem>> -> memref<16x128xf32, #tpu.memory_space<vmem>>
    %dma_start3A_60 = arith.constant 9984 : i32
    %dma_start3A_61 = tpu.memref_slice %arg5[%dma_start3A_60] : memref<10000xi32, #tpu.memory_space<vmem>> -> memref<16xi32, #tpu.memory_space<vmem>>
    %dma_start3A_62 = arith.constant 0 : i32
    %dma_start3A_63 = arith.constant 0 : i32
    %dma_start3A_64 = tpu.memref_slice %arg3[%dma_start3A_62, %dma_start3A_63] : memref<10000x128xf32, #tpu.memory_space<hbm>> -> memref<10000x128xf32, #tpu.memory_space<hbm>>
    tpu.enqueue_indirect_dma source(%dma_start3A_64 : memref<10000x128xf32, #tpu.memory_space<hbm>>) target(%dma_start3A_59 : memref<16x128xf32, #tpu.memory_space<vmem>>) offsets(%dma_start3A_61 : memref<16xi32, #tpu.memory_space<vmem>>) semaphore(%arg13 : memref<!tpu.dma_semaphore, #tpu.memory_space<semaphore_mem>>)
    %dma_wait3A_65 = arith.constant 0 : i32
    %dma_wait3A_66 = arith.constant 0 : i32
    %dma_wait3A_67 = tpu.memref_slice %arg7[%dma_wait3A_65, %dma_wait3A_66] : memref<48x128xf32, #tpu.memory_space<vmem>> -> memref<16x128xf32, #tpu.memory_space<vmem>>
    %dma_wait3A_68 = arith.constant 9984 : i32
    %dma_wait3A_69 = tpu.memref_slice %arg5[%dma_wait3A_68] : memref<10000xi32, #tpu.memory_space<vmem>> -> memref<16xi32, #tpu.memory_space<vmem>>
    %dma_wait3A_70 = arith.constant 0 : i32
    %dma_wait3A_71 = arith.constant 0 : i32
    %dma_wait3A_72 = tpu.memref_slice %arg3[%dma_wait3A_70, %dma_wait3A_71] : memref<10000x128xf32, #tpu.memory_space<hbm>> -> memref<10000x128xf32, #tpu.memory_space<hbm>>
    tpu.wait_indirect_dma semaphore(%arg13 : memref<!tpu.dma_semaphore, #tpu.memory_space<semaphore_mem>>) src(%dma_wait3A_72 : memref<10000x128xf32, #tpu.memory_space<hbm>>) dst(%dma_wait3A_67 : memref<16x128xf32, #tpu.memory_space<vmem>>)
    "tpu.region"() ({
      %run_scoped3A = tpu.sem_alloc : memref<!tpu.dma_semaphore, #tpu.memory_space<semaphore_mem>>
      %dma_start3A_74 = arith.constant 0 : i32
      %dma_start3A_75 = arith.constant 0 : i32
      %dma_start3A_76 = tpu.memref_slice %arg7[%dma_start3A_74, %dma_start3A_75] : memref<48x128xf32, #tpu.memory_space<vmem>> -> memref<16x128xf32, #tpu.memory_space<vmem>>
      %dma_start3A_77 = arith.constant 9984 : i32
      %dma_start3A_78 = tpu.memref_slice %arg6[%dma_start3A_77] : memref<10000xi32, #tpu.memory_space<vmem>> -> memref<16xi32, #tpu.memory_space<vmem>>
      %dma_start3A_79 = arith.constant 0 : i32
      %dma_start3A_80 = arith.constant 0 : i32
      %dma_start3A_81 = tpu.memref_slice %arg12[%dma_start3A_79, %dma_start3A_80] : memref<10000x128xf32, #tpu.memory_space<vmem_shared>> -> memref<10000x128xf32, #tpu.memory_space<vmem_shared>>
      tpu.enqueue_indirect_dma source(%dma_start3A_76 : memref<16x128xf32, #tpu.memory_space<vmem>>) target(%dma_start3A_81 : memref<10000x128xf32, #tpu.memory_space<vmem_shared>>) offsets(%dma_start3A_78 : memref<16xi32, #tpu.memory_space<vmem>>) semaphore(%run_scoped3A : memref<!tpu.dma_semaphore, #tpu.memory_space<semaphore_mem>>) {add = true}
      %dma_wait3A_82 = arith.constant 0 : i32
      %dma_wait3A_83 = arith.constant 0 : i32
      %dma_wait3A_84 = tpu.memref_slice %arg7[%dma_wait3A_82, %dma_wait3A_83] : memref<48x128xf32, #tpu.memory_space<vmem>> -> memref<16x128xf32, #tpu.memory_space<vmem>>
      %dma_wait3A_85 = arith.constant 9984 : i32
      %dma_wait3A_86 = tpu.memref_slice %arg6[%dma_wait3A_85] : memref<10000xi32, #tpu.memory_space<vmem>> -> memref<16xi32, #tpu.memory_space<vmem>>
      %dma_wait3A_87 = arith.constant 0 : i32
      %dma_wait3A_88 = arith.constant 0 : i32
      %dma_wait3A_89 = tpu.memref_slice %arg12[%dma_wait3A_87, %dma_wait3A_88] : memref<10000x128xf32, #tpu.memory_space<vmem_shared>> -> memref<10000x128xf32, #tpu.memory_space<vmem_shared>>
      tpu.wait_indirect_dma semaphore(%run_scoped3A : memref<!tpu.dma_semaphore, #tpu.memory_space<semaphore_mem>>) src(%dma_wait3A_84 : memref<16x128xf32, #tpu.memory_space<vmem>>) dst(%dma_wait3A_89 : memref<10000x128xf32, #tpu.memory_space<vmem_shared>>)
      tpu.yield
    }) : () -> ()
    %barrier3A_73 = arith.constant 0 : index
    tpu.barrier barrier_id(%barrier3A_73)
    "tpu.region"() ({
      %run_scoped3A = tpu.sem_alloc : memref<!tpu.dma_semaphore, #tpu.memory_space<semaphore_mem>>
      %dma_start3A_74 = arith.constant 0 : i32
      %dma_start3A_75 = tpu.memref_slice %arg4[%arg0, %mul3A_4, %dma_start3A_74] : memref<2x10000x128xf32, #tpu.memory_space<hbm>> -> memref<1x640x128xf32, #tpu.memory_space<hbm>>
      %dma_start3A_76 = tpu.memref_squeeze %dma_start3A_75 : memref<1x640x128xf32, #tpu.memory_space<hbm>> -> memref<640x128xf32, #tpu.memory_space<hbm>>
      %dma_start3A_77 = arith.constant 0 : i32
      %dma_start3A_78 = tpu.memref_slice %arg12[%mul3A_4, %dma_start3A_77] : memref<10000x128xf32, #tpu.memory_space<vmem_shared>> -> memref<640x128xf32, #tpu.memory_space<vmem_shared>>
      tpu.enqueue_dma source(%dma_start3A_78 : memref<640x128xf32, #tpu.memory_space<vmem_shared>>) target(%dma_start3A_76 : memref<640x128xf32, #tpu.memory_space<hbm>>) target_semaphore(%run_scoped3A : memref<!tpu.dma_semaphore, #tpu.memory_space<semaphore_mem>>)
      %dma_wait3A_79 = arith.constant 0 : i32
      %dma_wait3A_80 = tpu.memref_slice %arg4[%arg0, %mul3A_4, %dma_wait3A_79] : memref<2x10000x128xf32, #tpu.memory_space<hbm>> -> memref<1x640x128xf32, #tpu.memory_space<hbm>>
      %dma_wait3A_81 = tpu.memref_squeeze %dma_wait3A_80 : memref<1x640x128xf32, #tpu.memory_space<hbm>> -> memref<640x128xf32, #tpu.memory_space<hbm>>
      %dma_wait3A_82 = arith.constant 0 : i32
      %dma_wait3A_83 = tpu.memref_slice %arg12[%mul3A_4, %dma_wait3A_82] : memref<10000x128xf32, #tpu.memory_space<vmem_shared>> -> memref<640x128xf32, #tpu.memory_space<vmem_shared>>
      tpu.wait_dma2 semaphore(%run_scoped3A : memref<!tpu.dma_semaphore, #tpu.memory_space<semaphore_mem>>) src(%dma_wait3A_83 : memref<640x128xf32, #tpu.memory_space<vmem_shared>>) dst(%dma_wait3A_81 : memref<640x128xf32, #tpu.memory_space<hbm>>)
      tpu.yield
    }) : () -> ()
    return
  }
}

#map = affine_map<(d0, d1) -> (0)>
module attributes {stable_mosaic.version = 14 : i64} {
  func.func @deg_kernel(%arg0: i32, %arg1: i32, %arg2: memref<640000xi32, #tpu.memory_space<hbm>>, %arg3: memref<20000xf32, #tpu.memory_space<hbm>>, %arg4: memref<10000xi32, #tpu.memory_space<vmem>>, %arg5: memref<10000xf32, #tpu.memory_space<vmem>>, %arg6: memref<10240xf32, #tpu.memory_space<vmem>>, %arg7: memref<640xf32, #tpu.memory_space<vmem>>, %arg8: memref<160000xf32, #tpu.memory_space<vmem_shared>>, %arg9: memref<!tpu.dma_semaphore, #tpu.memory_space<semaphore_mem>>) attributes {dimension_semantics = [#tpu.dimension_semantics<core_parallel>, #tpu.dimension_semantics<subcore_parallel>], iteration_bounds = array<i64: 2, 16>, scalar_prefetch = 0 : i64, scratch_operands = 6 : i64, tpu.core_type = #tpu.core_type<sc_vector_subcore>, window_params = [{transform_indices = #map}, {transform_indices = #map}]} {
    %mul3A = arith.constant 2 : i32
    %mul3A_0 = arith.muli %arg1, %mul3A : i32
    %add3A = arith.addi %mul3A_0, %arg0 : i32
    %mul3A_1 = arith.constant 10000 : i32
    %mul3A_2 = arith.muli %add3A, %mul3A_1 : i32
    %add3A_3 = arith.constant 320000 : i32
    %add3A_4 = arith.addi %add3A_3, %mul3A_2 : i32
    %dma_start3A = tpu.memref_slice %arg2[%add3A_4] : memref<640000xi32, #tpu.memory_space<hbm>> -> memref<10000xi32, #tpu.memory_space<hbm>>
    %dma_start3A_5 = tpu.memref_slice %arg2[%add3A_4] : memref<640000xi32, #tpu.memory_space<hbm>> -> memref<10000xi32, #tpu.memory_space<hbm>>
    tpu.enqueue_dma source(%dma_start3A_5 : memref<10000xi32, #tpu.memory_space<hbm>>) target(%arg4 : memref<10000xi32, #tpu.memory_space<vmem>>) target_semaphore(%arg9 : memref<!tpu.dma_semaphore, #tpu.memory_space<semaphore_mem>>)
    %broadcast_in_dim3A = arith.constant 0.000000e+00 : f32
    %broadcast_in_dim3A_6 = vector.broadcast %broadcast_in_dim3A : f32 to vector<16xf32>
    %scan3A = arith.constant 0 : i32
    %scan3A_7 = arith.constant 0 : i32
    %scan3A_8 = arith.constant 125 : i32
    %scan3A_9 = arith.addi %scan3A_7, %scan3A_8 : i32
    %scan3A_10 = arith.constant 1 : i32
    %scan3A_11 = scf.for %scan3A_69 = %scan3A_7 to %scan3A_9 step %scan3A_10 iter_args(%scan3A_70 = %scan3A) -> (i32)  : i32 {
      %mul3A_71 = arith.constant 5 : i32
      %mul3A_72 = arith.muli %scan3A_69, %mul3A_71 : i32
      %add3A_73 = arith.constant 0 : i32
      %add3A_74 = arith.addi %mul3A_72, %add3A_73 : i32
      %mul3A_75 = arith.constant 16 : i32
      %mul3A_76 = arith.muli %add3A_74, %mul3A_75 : i32
      %swap3A = arith.index_cast %mul3A_76 : i32 to index
      %swap3A_77 = tpu.vector_load %arg5[%swap3A] {strides = array<i32>} : memref<10000xf32, #tpu.memory_space<vmem>>, vector<16xf32>,
      tpu.vector_store %arg5[%swap3A], %broadcast_in_dim3A_6 {strides = array<i32>} : memref<10000xf32, #tpu.memory_space<vmem>>, vector<16xf32>,
      %mul3A_78 = arith.constant 5 : i32
      %mul3A_79 = arith.muli %scan3A_69, %mul3A_78 : i32
      %add3A_80 = arith.constant 1 : i32
      %add3A_81 = arith.addi %mul3A_79, %add3A_80 : i32
      %mul3A_82 = arith.constant 16 : i32
      %mul3A_83 = arith.muli %add3A_81, %mul3A_82 : i32
      %swap3A_84 = arith.index_cast %mul3A_83 : i32 to index
      %swap3A_85 = tpu.vector_load %arg5[%swap3A_84] {strides = array<i32>} : memref<10000xf32, #tpu.memory_space<vmem>>, vector<16xf32>,
      tpu.vector_store %arg5[%swap3A_84], %broadcast_in_dim3A_6 {strides = array<i32>} : memref<10000xf32, #tpu.memory_space<vmem>>, vector<16xf32>,
      %mul3A_86 = arith.constant 5 : i32
      %mul3A_87 = arith.muli %scan3A_69, %mul3A_86 : i32
      %add3A_88 = arith.constant 2 : i32
      %add3A_89 = arith.addi %mul3A_87, %add3A_88 : i32
      %mul3A_90 = arith.constant 16 : i32
      %mul3A_91 = arith.muli %add3A_89, %mul3A_90 : i32
      %swap3A_92 = arith.index_cast %mul3A_91 : i32 to index
      %swap3A_93 = tpu.vector_load %arg5[%swap3A_92] {strides = array<i32>} : memref<10000xf32, #tpu.memory_space<vmem>>, vector<16xf32>,
      tpu.vector_store %arg5[%swap3A_92], %broadcast_in_dim3A_6 {strides = array<i32>} : memref<10000xf32, #tpu.memory_space<vmem>>, vector<16xf32>,
      %mul3A_94 = arith.constant 5 : i32
      %mul3A_95 = arith.muli %scan3A_69, %mul3A_94 : i32
      %add3A_96 = arith.constant 3 : i32
      %add3A_97 = arith.addi %mul3A_95, %add3A_96 : i32
      %mul3A_98 = arith.constant 16 : i32
      %mul3A_99 = arith.muli %add3A_97, %mul3A_98 : i32
      %swap3A_100 = arith.index_cast %mul3A_99 : i32 to index
      %swap3A_101 = tpu.vector_load %arg5[%swap3A_100] {strides = array<i32>} : memref<10000xf32, #tpu.memory_space<vmem>>, vector<16xf32>,
      tpu.vector_store %arg5[%swap3A_100], %broadcast_in_dim3A_6 {strides = array<i32>} : memref<10000xf32, #tpu.memory_space<vmem>>, vector<16xf32>,
      %mul3A_102 = arith.constant 5 : i32
      %mul3A_103 = arith.muli %scan3A_69, %mul3A_102 : i32
      %add3A_104 = arith.constant 4 : i32
      %add3A_105 = arith.addi %mul3A_103, %add3A_104 : i32
      %mul3A_106 = arith.constant 16 : i32
      %mul3A_107 = arith.muli %add3A_105, %mul3A_106 : i32
      %swap3A_108 = arith.index_cast %mul3A_107 : i32 to index
      %swap3A_109 = tpu.vector_load %arg5[%swap3A_108] {strides = array<i32>} : memref<10000xf32, #tpu.memory_space<vmem>>, vector<16xf32>,
      tpu.vector_store %arg5[%swap3A_108], %broadcast_in_dim3A_6 {strides = array<i32>} : memref<10000xf32, #tpu.memory_space<vmem>>, vector<16xf32>,
      %scan3A_110 = arith.constant 0 : i32
      scf.yield %scan3A_110 : i32
    }
    %scan3A_12 = arith.constant 125 : i32
    %dma_wait3A = tpu.memref_slice %arg2[%add3A_4] : memref<640000xi32, #tpu.memory_space<hbm>> -> memref<10000xi32, #tpu.memory_space<hbm>>
    %dma_wait3A_13 = tpu.memref_slice %arg2[%add3A_4] : memref<640000xi32, #tpu.memory_space<hbm>> -> memref<10000xi32, #tpu.memory_space<hbm>>
    tpu.wait_dma2 semaphore(%arg9 : memref<!tpu.dma_semaphore, #tpu.memory_space<semaphore_mem>>) src(%dma_wait3A_13 : memref<10000xi32, #tpu.memory_space<hbm>>) dst(%arg4 : memref<10000xi32, #tpu.memory_space<vmem>>)
    %broadcast_in_dim3A_14 = arith.constant 1.000000e+00 : f32
    %broadcast_in_dim3A_15 = vector.broadcast %broadcast_in_dim3A_14 : f32 to vector<16xf32>
    %scan3A_16 = arith.constant 0 : i32
    %scan3A_17 = arith.constant 0 : i32
    %scan3A_18 = arith.constant 125 : i32
    %scan3A_19 = arith.addi %scan3A_17, %scan3A_18 : i32
    %scan3A_20 = arith.constant 1 : i32
    %scan3A_21 = scf.for %scan3A_69 = %scan3A_17 to %scan3A_19 step %scan3A_20 iter_args(%scan3A_70 = %scan3A_16) -> (i32)  : i32 {
      %mul3A_71 = arith.constant 5 : i32
      %mul3A_72 = arith.muli %scan3A_69, %mul3A_71 : i32
      %add3A_73 = arith.constant 0 : i32
      %add3A_74 = arith.addi %mul3A_72, %add3A_73 : i32
      %mul3A_75 = arith.constant 16 : i32
      %mul3A_76 = arith.muli %add3A_74, %mul3A_75 : i32
      %get3A = arith.index_cast %mul3A_76 : i32 to index
      %get3A_77 = tpu.vector_load %arg4[%get3A] {strides = array<i32>} : memref<10000xi32, #tpu.memory_space<vmem>>, vector<16xi32>,
      tpu.vector_store_idx %arg5[%get3A_77], %broadcast_in_dim3A_15 {add = true} : memref<10000xf32, #tpu.memory_space<vmem>>[vector<16xi32>], vector<16xf32>,
      %mul3A_78 = arith.constant 5 : i32
      %mul3A_79 = arith.muli %scan3A_69, %mul3A_78 : i32
      %add3A_80 = arith.constant 1 : i32
      %add3A_81 = arith.addi %mul3A_79, %add3A_80 : i32
      %mul3A_82 = arith.constant 16 : i32
      %mul3A_83 = arith.muli %add3A_81, %mul3A_82 : i32
      %get3A_84 = arith.index_cast %mul3A_83 : i32 to index
      %get3A_85 = tpu.vector_load %arg4[%get3A_84] {strides = array<i32>} : memref<10000xi32, #tpu.memory_space<vmem>>, vector<16xi32>,
      tpu.vector_store_idx %arg5[%get3A_85], %broadcast_in_dim3A_15 {add = true} : memref<10000xf32, #tpu.memory_space<vmem>>[vector<16xi32>], vector<16xf32>,
      %mul3A_86 = arith.constant 5 : i32
      %mul3A_87 = arith.muli %scan3A_69, %mul3A_86 : i32
      %add3A_88 = arith.constant 2 : i32
      %add3A_89 = arith.addi %mul3A_87, %add3A_88 : i32
      %mul3A_90 = arith.constant 16 : i32
      %mul3A_91 = arith.muli %add3A_89, %mul3A_90 : i32
      %get3A_92 = arith.index_cast %mul3A_91 : i32 to index
      %get3A_93 = tpu.vector_load %arg4[%get3A_92] {strides = array<i32>} : memref<10000xi32, #tpu.memory_space<vmem>>, vector<16xi32>,
      tpu.vector_store_idx %arg5[%get3A_93], %broadcast_in_dim3A_15 {add = true} : memref<10000xf32, #tpu.memory_space<vmem>>[vector<16xi32>], vector<16xf32>,
      %mul3A_94 = arith.constant 5 : i32
      %mul3A_95 = arith.muli %scan3A_69, %mul3A_94 : i32
      %add3A_96 = arith.constant 3 : i32
      %add3A_97 = arith.addi %mul3A_95, %add3A_96 : i32
      %mul3A_98 = arith.constant 16 : i32
      %mul3A_99 = arith.muli %add3A_97, %mul3A_98 : i32
      %get3A_100 = arith.index_cast %mul3A_99 : i32 to index
      %get3A_101 = tpu.vector_load %arg4[%get3A_100] {strides = array<i32>} : memref<10000xi32, #tpu.memory_space<vmem>>, vector<16xi32>,
      tpu.vector_store_idx %arg5[%get3A_101], %broadcast_in_dim3A_15 {add = true} : memref<10000xf32, #tpu.memory_space<vmem>>[vector<16xi32>], vector<16xf32>,
      %mul3A_102 = arith.constant 5 : i32
      %mul3A_103 = arith.muli %scan3A_69, %mul3A_102 : i32
      %add3A_104 = arith.constant 4 : i32
      %add3A_105 = arith.addi %mul3A_103, %add3A_104 : i32
      %mul3A_106 = arith.constant 16 : i32
      %mul3A_107 = arith.muli %add3A_105, %mul3A_106 : i32
      %get3A_108 = arith.index_cast %mul3A_107 : i32 to index
      %get3A_109 = tpu.vector_load %arg4[%get3A_108] {strides = array<i32>} : memref<10000xi32, #tpu.memory_space<vmem>>, vector<16xi32>,
      tpu.vector_store_idx %arg5[%get3A_109], %broadcast_in_dim3A_15 {add = true} : memref<10000xf32, #tpu.memory_space<vmem>>[vector<16xi32>], vector<16xf32>,
      %scan3A_110 = arith.constant 0 : i32
      scf.yield %scan3A_110 : i32
    }
    %scan3A_22 = arith.constant 125 : i32
    %mul3A_23 = arith.constant 10000 : i32
    %mul3A_24 = arith.muli %arg1, %mul3A_23 : i32
    "tpu.region"() ({
      %run_scoped3A = tpu.sem_alloc : memref<!tpu.dma_semaphore, #tpu.memory_space<semaphore_mem>>
      %dma_start3A_69 = tpu.memref_slice %arg8[%mul3A_24] : memref<160000xf32, #tpu.memory_space<vmem_shared>> -> memref<10000xf32, #tpu.memory_space<vmem_shared>>
      %dma_start3A_70 = tpu.memref_slice %arg8[%mul3A_24] : memref<160000xf32, #tpu.memory_space<vmem_shared>> -> memref<10000xf32, #tpu.memory_space<vmem_shared>>
      tpu.enqueue_dma source(%arg5 : memref<10000xf32, #tpu.memory_space<vmem>>) target(%dma_start3A_70 : memref<10000xf32, #tpu.memory_space<vmem_shared>>) target_semaphore(%run_scoped3A : memref<!tpu.dma_semaphore, #tpu.memory_space<semaphore_mem>>)
      %dma_wait3A_71 = tpu.memref_slice %arg8[%mul3A_24] : memref<160000xf32, #tpu.memory_space<vmem_shared>> -> memref<10000xf32, #tpu.memory_space<vmem_shared>>
      %dma_wait3A_72 = tpu.memref_slice %arg8[%mul3A_24] : memref<160000xf32, #tpu.memory_space<vmem_shared>> -> memref<10000xf32, #tpu.memory_space<vmem_shared>>
      tpu.wait_dma2 semaphore(%run_scoped3A : memref<!tpu.dma_semaphore, #tpu.memory_space<semaphore_mem>>) src(%arg5 : memref<10000xf32, #tpu.memory_space<vmem>>) dst(%dma_wait3A_72 : memref<10000xf32, #tpu.memory_space<vmem_shared>>)
      tpu.yield
    }) : () -> ()
    %barrier3A = arith.constant 0 : index
    tpu.barrier barrier_id(%barrier3A)
    %mul3A_25 = arith.constant 624 : i32
    %mul3A_26 = arith.muli %arg1, %mul3A_25 : i32
    %add3A_27 = arith.constant 0 : i32
    %add3A_28 = arith.addi %add3A_27, %mul3A_26 : i32
    "tpu.region"() ({
      %run_scoped3A = tpu.sem_alloc : memref<!tpu.dma_semaphore, #tpu.memory_space<semaphore_mem>>
      %dma_start3A_69 = arith.constant 0 : i32
      %dma_start3A_70 = tpu.memref_slice %arg6[%dma_start3A_69] : memref<10240xf32, #tpu.memory_space<vmem>> -> memref<640xf32, #tpu.memory_space<vmem>>
      %dma_start3A_71 = tpu.memref_slice %arg8[%add3A_28] : memref<160000xf32, #tpu.memory_space<vmem_shared>> -> memref<640xf32, #tpu.memory_space<vmem_shared>>
      %dma_start3A_72 = arith.constant 0 : i32
      %dma_start3A_73 = tpu.memref_slice %arg6[%dma_start3A_72] : memref<10240xf32, #tpu.memory_space<vmem>> -> memref<640xf32, #tpu.memory_space<vmem>>
      %dma_start3A_74 = tpu.memref_slice %arg8[%add3A_28] : memref<160000xf32, #tpu.memory_space<vmem_shared>> -> memref<640xf32, #tpu.memory_space<vmem_shared>>
      tpu.enqueue_dma source(%dma_start3A_74 : memref<640xf32, #tpu.memory_space<vmem_shared>>) target(%dma_start3A_73 : memref<640xf32, #tpu.memory_space<vmem>>) target_semaphore(%run_scoped3A : memref<!tpu.dma_semaphore, #tpu.memory_space<semaphore_mem>>)
      %dma_wait3A_75 = arith.constant 0 : i32
      %dma_wait3A_76 = tpu.memref_slice %arg6[%dma_wait3A_75] : memref<10240xf32, #tpu.memory_space<vmem>> -> memref<640xf32, #tpu.memory_space<vmem>>
      %dma_wait3A_77 = tpu.memref_slice %arg8[%add3A_28] : memref<160000xf32, #tpu.memory_space<vmem_shared>> -> memref<640xf32, #tpu.memory_space<vmem_shared>>
      %dma_wait3A_78 = arith.constant 0 : i32
      %dma_wait3A_79 = tpu.memref_slice %arg6[%dma_wait3A_78] : memref<10240xf32, #tpu.memory_space<vmem>> -> memref<640xf32, #tpu.memory_space<vmem>>
      %dma_wait3A_80 = tpu.memref_slice %arg8[%add3A_28] : memref<160000xf32, #tpu.memory_space<vmem_shared>> -> memref<640xf32, #tpu.memory_space<vmem_shared>>
      tpu.wait_dma2 semaphore(%run_scoped3A : memref<!tpu.dma_semaphore, #tpu.memory_space<semaphore_mem>>) src(%dma_wait3A_80 : memref<640xf32, #tpu.memory_space<vmem_shared>>) dst(%dma_wait3A_79 : memref<640xf32, #tpu.memory_space<vmem>>)
      tpu.yield
    }) : () -> ()
    %add3A_29 = arith.constant 10000 : i32
    %add3A_30 = arith.addi %add3A_29, %mul3A_26 : i32
    "tpu.region"() ({
      %run_scoped3A = tpu.sem_alloc : memref<!tpu.dma_semaphore, #tpu.memory_space<semaphore_mem>>
      %dma_start3A_69 = arith.constant 640 : i32
      %dma_start3A_70 = tpu.memref_slice %arg6[%dma_start3A_69] : memref<10240xf32, #tpu.memory_space<vmem>> -> memref<640xf32, #tpu.memory_space<vmem>>
      %dma_start3A_71 = tpu.memref_slice %arg8[%add3A_30] : memref<160000xf32, #tpu.memory_space<vmem_shared>> -> memref<640xf32, #tpu.memory_space<vmem_shared>>
      %dma_start3A_72 = arith.constant 640 : i32
      %dma_start3A_73 = tpu.memref_slice %arg6[%dma_start3A_72] : memref<10240xf32, #tpu.memory_space<vmem>> -> memref<640xf32, #tpu.memory_space<vmem>>
      %dma_start3A_74 = tpu.memref_slice %arg8[%add3A_30] : memref<160000xf32, #tpu.memory_space<vmem_shared>> -> memref<640xf32, #tpu.memory_space<vmem_shared>>
      tpu.enqueue_dma source(%dma_start3A_74 : memref<640xf32, #tpu.memory_space<vmem_shared>>) target(%dma_start3A_73 : memref<640xf32, #tpu.memory_space<vmem>>) target_semaphore(%run_scoped3A : memref<!tpu.dma_semaphore, #tpu.memory_space<semaphore_mem>>)
      %dma_wait3A_75 = arith.constant 640 : i32
      %dma_wait3A_76 = tpu.memref_slice %arg6[%dma_wait3A_75] : memref<10240xf32, #tpu.memory_space<vmem>> -> memref<640xf32, #tpu.memory_space<vmem>>
      %dma_wait3A_77 = tpu.memref_slice %arg8[%add3A_30] : memref<160000xf32, #tpu.memory_space<vmem_shared>> -> memref<640xf32, #tpu.memory_space<vmem_shared>>
      %dma_wait3A_78 = arith.constant 640 : i32
      %dma_wait3A_79 = tpu.memref_slice %arg6[%dma_wait3A_78] : memref<10240xf32, #tpu.memory_space<vmem>> -> memref<640xf32, #tpu.memory_space<vmem>>
      %dma_wait3A_80 = tpu.memref_slice %arg8[%add3A_30] : memref<160000xf32, #tpu.memory_space<vmem_shared>> -> memref<640xf32, #tpu.memory_space<vmem_shared>>
      tpu.wait_dma2 semaphore(%run_scoped3A : memref<!tpu.dma_semaphore, #tpu.memory_space<semaphore_mem>>) src(%dma_wait3A_80 : memref<640xf32, #tpu.memory_space<vmem_shared>>) dst(%dma_wait3A_79 : memref<640xf32, #tpu.memory_space<vmem>>)
      tpu.yield
    }) : () -> ()
    %add3A_31 = arith.constant 20000 : i32
    %add3A_32 = arith.addi %add3A_31, %mul3A_26 : i32
    "tpu.region"() ({
      %run_scoped3A = tpu.sem_alloc : memref<!tpu.dma_semaphore, #tpu.memory_space<semaphore_mem>>
      %dma_start3A_69 = arith.constant 1280 : i32
      %dma_start3A_70 = tpu.memref_slice %arg6[%dma_start3A_69] : memref<10240xf32, #tpu.memory_space<vmem>> -> memref<640xf32, #tpu.memory_space<vmem>>
      %dma_start3A_71 = tpu.memref_slice %arg8[%add3A_32] : memref<160000xf32, #tpu.memory_space<vmem_shared>> -> memref<640xf32, #tpu.memory_space<vmem_shared>>
      %dma_start3A_72 = arith.constant 1280 : i32
      %dma_start3A_73 = tpu.memref_slice %arg6[%dma_start3A_72] : memref<10240xf32, #tpu.memory_space<vmem>> -> memref<640xf32, #tpu.memory_space<vmem>>
      %dma_start3A_74 = tpu.memref_slice %arg8[%add3A_32] : memref<160000xf32, #tpu.memory_space<vmem_shared>> -> memref<640xf32, #tpu.memory_space<vmem_shared>>
      tpu.enqueue_dma source(%dma_start3A_74 : memref<640xf32, #tpu.memory_space<vmem_shared>>) target(%dma_start3A_73 : memref<640xf32, #tpu.memory_space<vmem>>) target_semaphore(%run_scoped3A : memref<!tpu.dma_semaphore, #tpu.memory_space<semaphore_mem>>)
      %dma_wait3A_75 = arith.constant 1280 : i32
      %dma_wait3A_76 = tpu.memref_slice %arg6[%dma_wait3A_75] : memref<10240xf32, #tpu.memory_space<vmem>> -> memref<640xf32, #tpu.memory_space<vmem>>
      %dma_wait3A_77 = tpu.memref_slice %arg8[%add3A_32] : memref<160000xf32, #tpu.memory_space<vmem_shared>> -> memref<640xf32, #tpu.memory_space<vmem_shared>>
      %dma_wait3A_78 = arith.constant 1280 : i32
      %dma_wait3A_79 = tpu.memref_slice %arg6[%dma_wait3A_78] : memref<10240xf32, #tpu.memory_space<vmem>> -> memref<640xf32, #tpu.memory_space<vmem>>
      %dma_wait3A_80 = tpu.memref_slice %arg8[%add3A_32] : memref<160000xf32, #tpu.memory_space<vmem_shared>> -> memref<640xf32, #tpu.memory_space<vmem_shared>>
      tpu.wait_dma2 semaphore(%run_scoped3A : memref<!tpu.dma_semaphore, #tpu.memory_space<semaphore_mem>>) src(%dma_wait3A_80 : memref<640xf32, #tpu.memory_space<vmem_shared>>) dst(%dma_wait3A_79 : memref<640xf32, #tpu.memory_space<vmem>>)
      tpu.yield
    }) : () -> ()
    %add3A_33 = arith.constant 30000 : i32
    %add3A_34 = arith.addi %add3A_33, %mul3A_26 : i32
    "tpu.region"() ({
      %run_scoped3A = tpu.sem_alloc : memref<!tpu.dma_semaphore, #tpu.memory_space<semaphore_mem>>
      %dma_start3A_69 = arith.constant 1920 : i32
      %dma_start3A_70 = tpu.memref_slice %arg6[%dma_start3A_69] : memref<10240xf32, #tpu.memory_space<vmem>> -> memref<640xf32, #tpu.memory_space<vmem>>
      %dma_start3A_71 = tpu.memref_slice %arg8[%add3A_34] : memref<160000xf32, #tpu.memory_space<vmem_shared>> -> memref<640xf32, #tpu.memory_space<vmem_shared>>
      %dma_start3A_72 = arith.constant 1920 : i32
      %dma_start3A_73 = tpu.memref_slice %arg6[%dma_start3A_72] : memref<10240xf32, #tpu.memory_space<vmem>> -> memref<640xf32, #tpu.memory_space<vmem>>
      %dma_start3A_74 = tpu.memref_slice %arg8[%add3A_34] : memref<160000xf32, #tpu.memory_space<vmem_shared>> -> memref<640xf32, #tpu.memory_space<vmem_shared>>
      tpu.enqueue_dma source(%dma_start3A_74 : memref<640xf32, #tpu.memory_space<vmem_shared>>) target(%dma_start3A_73 : memref<640xf32, #tpu.memory_space<vmem>>) target_semaphore(%run_scoped3A : memref<!tpu.dma_semaphore, #tpu.memory_space<semaphore_mem>>)
      %dma_wait3A_75 = arith.constant 1920 : i32
      %dma_wait3A_76 = tpu.memref_slice %arg6[%dma_wait3A_75] : memref<10240xf32, #tpu.memory_space<vmem>> -> memref<640xf32, #tpu.memory_space<vmem>>
      %dma_wait3A_77 = tpu.memref_slice %arg8[%add3A_34] : memref<160000xf32, #tpu.memory_space<vmem_shared>> -> memref<640xf32, #tpu.memory_space<vmem_shared>>
      %dma_wait3A_78 = arith.constant 1920 : i32
      %dma_wait3A_79 = tpu.memref_slice %arg6[%dma_wait3A_78] : memref<10240xf32, #tpu.memory_space<vmem>> -> memref<640xf32, #tpu.memory_space<vmem>>
      %dma_wait3A_80 = tpu.memref_slice %arg8[%add3A_34] : memref<160000xf32, #tpu.memory_space<vmem_shared>> -> memref<640xf32, #tpu.memory_space<vmem_shared>>
      tpu.wait_dma2 semaphore(%run_scoped3A : memref<!tpu.dma_semaphore, #tpu.memory_space<semaphore_mem>>) src(%dma_wait3A_80 : memref<640xf32, #tpu.memory_space<vmem_shared>>) dst(%dma_wait3A_79 : memref<640xf32, #tpu.memory_space<vmem>>)
      tpu.yield
    }) : () -> ()
    %add3A_35 = arith.constant 40000 : i32
    %add3A_36 = arith.addi %add3A_35, %mul3A_26 : i32
    "tpu.region"() ({
      %run_scoped3A = tpu.sem_alloc : memref<!tpu.dma_semaphore, #tpu.memory_space<semaphore_mem>>
      %dma_start3A_69 = arith.constant 2560 : i32
      %dma_start3A_70 = tpu.memref_slice %arg6[%dma_start3A_69] : memref<10240xf32, #tpu.memory_space<vmem>> -> memref<640xf32, #tpu.memory_space<vmem>>
      %dma_start3A_71 = tpu.memref_slice %arg8[%add3A_36] : memref<160000xf32, #tpu.memory_space<vmem_shared>> -> memref<640xf32, #tpu.memory_space<vmem_shared>>
      %dma_start3A_72 = arith.constant 2560 : i32
      %dma_start3A_73 = tpu.memref_slice %arg6[%dma_start3A_72] : memref<10240xf32, #tpu.memory_space<vmem>> -> memref<640xf32, #tpu.memory_space<vmem>>
      %dma_start3A_74 = tpu.memref_slice %arg8[%add3A_36] : memref<160000xf32, #tpu.memory_space<vmem_shared>> -> memref<640xf32, #tpu.memory_space<vmem_shared>>
      tpu.enqueue_dma source(%dma_start3A_74 : memref<640xf32, #tpu.memory_space<vmem_shared>>) target(%dma_start3A_73 : memref<640xf32, #tpu.memory_space<vmem>>) target_semaphore(%run_scoped3A : memref<!tpu.dma_semaphore, #tpu.memory_space<semaphore_mem>>)
      %dma_wait3A_75 = arith.constant 2560 : i32
      %dma_wait3A_76 = tpu.memref_slice %arg6[%dma_wait3A_75] : memref<10240xf32, #tpu.memory_space<vmem>> -> memref<640xf32, #tpu.memory_space<vmem>>
      %dma_wait3A_77 = tpu.memref_slice %arg8[%add3A_36] : memref<160000xf32, #tpu.memory_space<vmem_shared>> -> memref<640xf32, #tpu.memory_space<vmem_shared>>
      %dma_wait3A_78 = arith.constant 2560 : i32
      %dma_wait3A_79 = tpu.memref_slice %arg6[%dma_wait3A_78] : memref<10240xf32, #tpu.memory_space<vmem>> -> memref<640xf32, #tpu.memory_space<vmem>>
      %dma_wait3A_80 = tpu.memref_slice %arg8[%add3A_36] : memref<160000xf32, #tpu.memory_space<vmem_shared>> -> memref<640xf32, #tpu.memory_space<vmem_shared>>
      tpu.wait_dma2 semaphore(%run_scoped3A : memref<!tpu.dma_semaphore, #tpu.memory_space<semaphore_mem>>) src(%dma_wait3A_80 : memref<640xf32, #tpu.memory_space<vmem_shared>>) dst(%dma_wait3A_79 : memref<640xf32, #tpu.memory_space<vmem>>)
      tpu.yield
    }) : () -> ()
    %add3A_37 = arith.constant 50000 : i32
    %add3A_38 = arith.addi %add3A_37, %mul3A_26 : i32
    "tpu.region"() ({
      %run_scoped3A = tpu.sem_alloc : memref<!tpu.dma_semaphore, #tpu.memory_space<semaphore_mem>>
      %dma_start3A_69 = arith.constant 3200 : i32
      %dma_start3A_70 = tpu.memref_slice %arg6[%dma_start3A_69] : memref<10240xf32, #tpu.memory_space<vmem>> -> memref<640xf32, #tpu.memory_space<vmem>>
      %dma_start3A_71 = tpu.memref_slice %arg8[%add3A_38] : memref<160000xf32, #tpu.memory_space<vmem_shared>> -> memref<640xf32, #tpu.memory_space<vmem_shared>>
      %dma_start3A_72 = arith.constant 3200 : i32
      %dma_start3A_73 = tpu.memref_slice %arg6[%dma_start3A_72] : memref<10240xf32, #tpu.memory_space<vmem>> -> memref<640xf32, #tpu.memory_space<vmem>>
      %dma_start3A_74 = tpu.memref_slice %arg8[%add3A_38] : memref<160000xf32, #tpu.memory_space<vmem_shared>> -> memref<640xf32, #tpu.memory_space<vmem_shared>>
      tpu.enqueue_dma source(%dma_start3A_74 : memref<640xf32, #tpu.memory_space<vmem_shared>>) target(%dma_start3A_73 : memref<640xf32, #tpu.memory_space<vmem>>) target_semaphore(%run_scoped3A : memref<!tpu.dma_semaphore, #tpu.memory_space<semaphore_mem>>)
      %dma_wait3A_75 = arith.constant 3200 : i32
      %dma_wait3A_76 = tpu.memref_slice %arg6[%dma_wait3A_75] : memref<10240xf32, #tpu.memory_space<vmem>> -> memref<640xf32, #tpu.memory_space<vmem>>
      %dma_wait3A_77 = tpu.memref_slice %arg8[%add3A_38] : memref<160000xf32, #tpu.memory_space<vmem_shared>> -> memref<640xf32, #tpu.memory_space<vmem_shared>>
      %dma_wait3A_78 = arith.constant 3200 : i32
      %dma_wait3A_79 = tpu.memref_slice %arg6[%dma_wait3A_78] : memref<10240xf32, #tpu.memory_space<vmem>> -> memref<640xf32, #tpu.memory_space<vmem>>
      %dma_wait3A_80 = tpu.memref_slice %arg8[%add3A_38] : memref<160000xf32, #tpu.memory_space<vmem_shared>> -> memref<640xf32, #tpu.memory_space<vmem_shared>>
      tpu.wait_dma2 semaphore(%run_scoped3A : memref<!tpu.dma_semaphore, #tpu.memory_space<semaphore_mem>>) src(%dma_wait3A_80 : memref<640xf32, #tpu.memory_space<vmem_shared>>) dst(%dma_wait3A_79 : memref<640xf32, #tpu.memory_space<vmem>>)
      tpu.yield
    }) : () -> ()
    %add3A_39 = arith.constant 60000 : i32
    %add3A_40 = arith.addi %add3A_39, %mul3A_26 : i32
    "tpu.region"() ({
      %run_scoped3A = tpu.sem_alloc : memref<!tpu.dma_semaphore, #tpu.memory_space<semaphore_mem>>
      %dma_start3A_69 = arith.constant 3840 : i32
      %dma_start3A_70 = tpu.memref_slice %arg6[%dma_start3A_69] : memref<10240xf32, #tpu.memory_space<vmem>> -> memref<640xf32, #tpu.memory_space<vmem>>
      %dma_start3A_71 = tpu.memref_slice %arg8[%add3A_40] : memref<160000xf32, #tpu.memory_space<vmem_shared>> -> memref<640xf32, #tpu.memory_space<vmem_shared>>
      %dma_start3A_72 = arith.constant 3840 : i32
      %dma_start3A_73 = tpu.memref_slice %arg6[%dma_start3A_72] : memref<10240xf32, #tpu.memory_space<vmem>> -> memref<640xf32, #tpu.memory_space<vmem>>
      %dma_start3A_74 = tpu.memref_slice %arg8[%add3A_40] : memref<160000xf32, #tpu.memory_space<vmem_shared>> -> memref<640xf32, #tpu.memory_space<vmem_shared>>
      tpu.enqueue_dma source(%dma_start3A_74 : memref<640xf32, #tpu.memory_space<vmem_shared>>) target(%dma_start3A_73 : memref<640xf32, #tpu.memory_space<vmem>>) target_semaphore(%run_scoped3A : memref<!tpu.dma_semaphore, #tpu.memory_space<semaphore_mem>>)
      %dma_wait3A_75 = arith.constant 3840 : i32
      %dma_wait3A_76 = tpu.memref_slice %arg6[%dma_wait3A_75] : memref<10240xf32, #tpu.memory_space<vmem>> -> memref<640xf32, #tpu.memory_space<vmem>>
      %dma_wait3A_77 = tpu.memref_slice %arg8[%add3A_40] : memref<160000xf32, #tpu.memory_space<vmem_shared>> -> memref<640xf32, #tpu.memory_space<vmem_shared>>
      %dma_wait3A_78 = arith.constant 3840 : i32
      %dma_wait3A_79 = tpu.memref_slice %arg6[%dma_wait3A_78] : memref<10240xf32, #tpu.memory_space<vmem>> -> memref<640xf32, #tpu.memory_space<vmem>>
      %dma_wait3A_80 = tpu.memref_slice %arg8[%add3A_40] : memref<160000xf32, #tpu.memory_space<vmem_shared>> -> memref<640xf32, #tpu.memory_space<vmem_shared>>
      tpu.wait_dma2 semaphore(%run_scoped3A : memref<!tpu.dma_semaphore, #tpu.memory_space<semaphore_mem>>) src(%dma_wait3A_80 : memref<640xf32, #tpu.memory_space<vmem_shared>>) dst(%dma_wait3A_79 : memref<640xf32, #tpu.memory_space<vmem>>)
      tpu.yield
    }) : () -> ()
    %add3A_41 = arith.constant 70000 : i32
    %add3A_42 = arith.addi %add3A_41, %mul3A_26 : i32
    "tpu.region"() ({
      %run_scoped3A = tpu.sem_alloc : memref<!tpu.dma_semaphore, #tpu.memory_space<semaphore_mem>>
      %dma_start3A_69 = arith.constant 4480 : i32
      %dma_start3A_70 = tpu.memref_slice %arg6[%dma_start3A_69] : memref<10240xf32, #tpu.memory_space<vmem>> -> memref<640xf32, #tpu.memory_space<vmem>>
      %dma_start3A_71 = tpu.memref_slice %arg8[%add3A_42] : memref<160000xf32, #tpu.memory_space<vmem_shared>> -> memref<640xf32, #tpu.memory_space<vmem_shared>>
      %dma_start3A_72 = arith.constant 4480 : i32
      %dma_start3A_73 = tpu.memref_slice %arg6[%dma_start3A_72] : memref<10240xf32, #tpu.memory_space<vmem>> -> memref<640xf32, #tpu.memory_space<vmem>>
      %dma_start3A_74 = tpu.memref_slice %arg8[%add3A_42] : memref<160000xf32, #tpu.memory_space<vmem_shared>> -> memref<640xf32, #tpu.memory_space<vmem_shared>>
      tpu.enqueue_dma source(%dma_start3A_74 : memref<640xf32, #tpu.memory_space<vmem_shared>>) target(%dma_start3A_73 : memref<640xf32, #tpu.memory_space<vmem>>) target_semaphore(%run_scoped3A : memref<!tpu.dma_semaphore, #tpu.memory_space<semaphore_mem>>)
      %dma_wait3A_75 = arith.constant 4480 : i32
      %dma_wait3A_76 = tpu.memref_slice %arg6[%dma_wait3A_75] : memref<10240xf32, #tpu.memory_space<vmem>> -> memref<640xf32, #tpu.memory_space<vmem>>
      %dma_wait3A_77 = tpu.memref_slice %arg8[%add3A_42] : memref<160000xf32, #tpu.memory_space<vmem_shared>> -> memref<640xf32, #tpu.memory_space<vmem_shared>>
      %dma_wait3A_78 = arith.constant 4480 : i32
      %dma_wait3A_79 = tpu.memref_slice %arg6[%dma_wait3A_78] : memref<10240xf32, #tpu.memory_space<vmem>> -> memref<640xf32, #tpu.memory_space<vmem>>
      %dma_wait3A_80 = tpu.memref_slice %arg8[%add3A_42] : memref<160000xf32, #tpu.memory_space<vmem_shared>> -> memref<640xf32, #tpu.memory_space<vmem_shared>>
      tpu.wait_dma2 semaphore(%run_scoped3A : memref<!tpu.dma_semaphore, #tpu.memory_space<semaphore_mem>>) src(%dma_wait3A_80 : memref<640xf32, #tpu.memory_space<vmem_shared>>) dst(%dma_wait3A_79 : memref<640xf32, #tpu.memory_space<vmem>>)
      tpu.yield
    }) : () -> ()
    %add3A_43 = arith.constant 80000 : i32
    %add3A_44 = arith.addi %add3A_43, %mul3A_26 : i32
    "tpu.region"() ({
      %run_scoped3A = tpu.sem_alloc : memref<!tpu.dma_semaphore, #tpu.memory_space<semaphore_mem>>
      %dma_start3A_69 = arith.constant 5120 : i32
      %dma_start3A_70 = tpu.memref_slice %arg6[%dma_start3A_69] : memref<10240xf32, #tpu.memory_space<vmem>> -> memref<640xf32, #tpu.memory_space<vmem>>
      %dma_start3A_71 = tpu.memref_slice %arg8[%add3A_44] : memref<160000xf32, #tpu.memory_space<vmem_shared>> -> memref<640xf32, #tpu.memory_space<vmem_shared>>
      %dma_start3A_72 = arith.constant 5120 : i32
      %dma_start3A_73 = tpu.memref_slice %arg6[%dma_start3A_72] : memref<10240xf32, #tpu.memory_space<vmem>> -> memref<640xf32, #tpu.memory_space<vmem>>
      %dma_start3A_74 = tpu.memref_slice %arg8[%add3A_44] : memref<160000xf32, #tpu.memory_space<vmem_shared>> -> memref<640xf32, #tpu.memory_space<vmem_shared>>
      tpu.enqueue_dma source(%dma_start3A_74 : memref<640xf32, #tpu.memory_space<vmem_shared>>) target(%dma_start3A_73 : memref<640xf32, #tpu.memory_space<vmem>>) target_semaphore(%run_scoped3A : memref<!tpu.dma_semaphore, #tpu.memory_space<semaphore_mem>>)
      %dma_wait3A_75 = arith.constant 5120 : i32
      %dma_wait3A_76 = tpu.memref_slice %arg6[%dma_wait3A_75] : memref<10240xf32, #tpu.memory_space<vmem>> -> memref<640xf32, #tpu.memory_space<vmem>>
      %dma_wait3A_77 = tpu.memref_slice %arg8[%add3A_44] : memref<160000xf32, #tpu.memory_space<vmem_shared>> -> memref<640xf32, #tpu.memory_space<vmem_shared>>
      %dma_wait3A_78 = arith.constant 5120 : i32
      %dma_wait3A_79 = tpu.memref_slice %arg6[%dma_wait3A_78] : memref<10240xf32, #tpu.memory_space<vmem>> -> memref<640xf32, #tpu.memory_space<vmem>>
      %dma_wait3A_80 = tpu.memref_slice %arg8[%add3A_44] : memref<160000xf32, #tpu.memory_space<vmem_shared>> -> memref<640xf32, #tpu.memory_space<vmem_shared>>
      tpu.wait_dma2 semaphore(%run_scoped3A : memref<!tpu.dma_semaphore, #tpu.memory_space<semaphore_mem>>) src(%dma_wait3A_80 : memref<640xf32, #tpu.memory_space<vmem_shared>>) dst(%dma_wait3A_79 : memref<640xf32, #tpu.memory_space<vmem>>)
      tpu.yield
    }) : () -> ()
    %add3A_45 = arith.constant 90000 : i32
    %add3A_46 = arith.addi %add3A_45, %mul3A_26 : i32
    "tpu.region"() ({
      %run_scoped3A = tpu.sem_alloc : memref<!tpu.dma_semaphore, #tpu.memory_space<semaphore_mem>>
      %dma_start3A_69 = arith.constant 5760 : i32
      %dma_start3A_70 = tpu.memref_slice %arg6[%dma_start3A_69] : memref<10240xf32, #tpu.memory_space<vmem>> -> memref<640xf32, #tpu.memory_space<vmem>>
      %dma_start3A_71 = tpu.memref_slice %arg8[%add3A_46] : memref<160000xf32, #tpu.memory_space<vmem_shared>> -> memref<640xf32, #tpu.memory_space<vmem_shared>>
      %dma_start3A_72 = arith.constant 5760 : i32
      %dma_start3A_73 = tpu.memref_slice %arg6[%dma_start3A_72] : memref<10240xf32, #tpu.memory_space<vmem>> -> memref<640xf32, #tpu.memory_space<vmem>>
      %dma_start3A_74 = tpu.memref_slice %arg8[%add3A_46] : memref<160000xf32, #tpu.memory_space<vmem_shared>> -> memref<640xf32, #tpu.memory_space<vmem_shared>>
      tpu.enqueue_dma source(%dma_start3A_74 : memref<640xf32, #tpu.memory_space<vmem_shared>>) target(%dma_start3A_73 : memref<640xf32, #tpu.memory_space<vmem>>) target_semaphore(%run_scoped3A : memref<!tpu.dma_semaphore, #tpu.memory_space<semaphore_mem>>)
      %dma_wait3A_75 = arith.constant 5760 : i32
      %dma_wait3A_76 = tpu.memref_slice %arg6[%dma_wait3A_75] : memref<10240xf32, #tpu.memory_space<vmem>> -> memref<640xf32, #tpu.memory_space<vmem>>
      %dma_wait3A_77 = tpu.memref_slice %arg8[%add3A_46] : memref<160000xf32, #tpu.memory_space<vmem_shared>> -> memref<640xf32, #tpu.memory_space<vmem_shared>>
      %dma_wait3A_78 = arith.constant 5760 : i32
      %dma_wait3A_79 = tpu.memref_slice %arg6[%dma_wait3A_78] : memref<10240xf32, #tpu.memory_space<vmem>> -> memref<640xf32, #tpu.memory_space<vmem>>
      %dma_wait3A_80 = tpu.memref_slice %arg8[%add3A_46] : memref<160000xf32, #tpu.memory_space<vmem_shared>> -> memref<640xf32, #tpu.memory_space<vmem_shared>>
      tpu.wait_dma2 semaphore(%run_scoped3A : memref<!tpu.dma_semaphore, #tpu.memory_space<semaphore_mem>>) src(%dma_wait3A_80 : memref<640xf32, #tpu.memory_space<vmem_shared>>) dst(%dma_wait3A_79 : memref<640xf32, #tpu.memory_space<vmem>>)
      tpu.yield
    }) : () -> ()
    %add3A_47 = arith.constant 100000 : i32
    %add3A_48 = arith.addi %add3A_47, %mul3A_26 : i32
    "tpu.region"() ({
      %run_scoped3A = tpu.sem_alloc : memref<!tpu.dma_semaphore, #tpu.memory_space<semaphore_mem>>
      %dma_start3A_69 = arith.constant 6400 : i32
      %dma_start3A_70 = tpu.memref_slice %arg6[%dma_start3A_69] : memref<10240xf32, #tpu.memory_space<vmem>> -> memref<640xf32, #tpu.memory_space<vmem>>
      %dma_start3A_71 = tpu.memref_slice %arg8[%add3A_48] : memref<160000xf32, #tpu.memory_space<vmem_shared>> -> memref<640xf32, #tpu.memory_space<vmem_shared>>
      %dma_start3A_72 = arith.constant 6400 : i32
      %dma_start3A_73 = tpu.memref_slice %arg6[%dma_start3A_72] : memref<10240xf32, #tpu.memory_space<vmem>> -> memref<640xf32, #tpu.memory_space<vmem>>
      %dma_start3A_74 = tpu.memref_slice %arg8[%add3A_48] : memref<160000xf32, #tpu.memory_space<vmem_shared>> -> memref<640xf32, #tpu.memory_space<vmem_shared>>
      tpu.enqueue_dma source(%dma_start3A_74 : memref<640xf32, #tpu.memory_space<vmem_shared>>) target(%dma_start3A_73 : memref<640xf32, #tpu.memory_space<vmem>>) target_semaphore(%run_scoped3A : memref<!tpu.dma_semaphore, #tpu.memory_space<semaphore_mem>>)
      %dma_wait3A_75 = arith.constant 6400 : i32
      %dma_wait3A_76 = tpu.memref_slice %arg6[%dma_wait3A_75] : memref<10240xf32, #tpu.memory_space<vmem>> -> memref<640xf32, #tpu.memory_space<vmem>>
      %dma_wait3A_77 = tpu.memref_slice %arg8[%add3A_48] : memref<160000xf32, #tpu.memory_space<vmem_shared>> -> memref<640xf32, #tpu.memory_space<vmem_shared>>
      %dma_wait3A_78 = arith.constant 6400 : i32
      %dma_wait3A_79 = tpu.memref_slice %arg6[%dma_wait3A_78] : memref<10240xf32, #tpu.memory_space<vmem>> -> memref<640xf32, #tpu.memory_space<vmem>>
      %dma_wait3A_80 = tpu.memref_slice %arg8[%add3A_48] : memref<160000xf32, #tpu.memory_space<vmem_shared>> -> memref<640xf32, #tpu.memory_space<vmem_shared>>
      tpu.wait_dma2 semaphore(%run_scoped3A : memref<!tpu.dma_semaphore, #tpu.memory_space<semaphore_mem>>) src(%dma_wait3A_80 : memref<640xf32, #tpu.memory_space<vmem_shared>>) dst(%dma_wait3A_79 : memref<640xf32, #tpu.memory_space<vmem>>)
      tpu.yield
    }) : () -> ()
    %add3A_49 = arith.constant 110000 : i32
    %add3A_50 = arith.addi %add3A_49, %mul3A_26 : i32
    "tpu.region"() ({
      %run_scoped3A = tpu.sem_alloc : memref<!tpu.dma_semaphore, #tpu.memory_space<semaphore_mem>>
      %dma_start3A_69 = arith.constant 7040 : i32
      %dma_start3A_70 = tpu.memref_slice %arg6[%dma_start3A_69] : memref<10240xf32, #tpu.memory_space<vmem>> -> memref<640xf32, #tpu.memory_space<vmem>>
      %dma_start3A_71 = tpu.memref_slice %arg8[%add3A_50] : memref<160000xf32, #tpu.memory_space<vmem_shared>> -> memref<640xf32, #tpu.memory_space<vmem_shared>>
      %dma_start3A_72 = arith.constant 7040 : i32
      %dma_start3A_73 = tpu.memref_slice %arg6[%dma_start3A_72] : memref<10240xf32, #tpu.memory_space<vmem>> -> memref<640xf32, #tpu.memory_space<vmem>>
      %dma_start3A_74 = tpu.memref_slice %arg8[%add3A_50] : memref<160000xf32, #tpu.memory_space<vmem_shared>> -> memref<640xf32, #tpu.memory_space<vmem_shared>>
      tpu.enqueue_dma source(%dma_start3A_74 : memref<640xf32, #tpu.memory_space<vmem_shared>>) target(%dma_start3A_73 : memref<640xf32, #tpu.memory_space<vmem>>) target_semaphore(%run_scoped3A : memref<!tpu.dma_semaphore, #tpu.memory_space<semaphore_mem>>)
      %dma_wait3A_75 = arith.constant 7040 : i32
      %dma_wait3A_76 = tpu.memref_slice %arg6[%dma_wait3A_75] : memref<10240xf32, #tpu.memory_space<vmem>> -> memref<640xf32, #tpu.memory_space<vmem>>
      %dma_wait3A_77 = tpu.memref_slice %arg8[%add3A_50] : memref<160000xf32, #tpu.memory_space<vmem_shared>> -> memref<640xf32, #tpu.memory_space<vmem_shared>>
      %dma_wait3A_78 = arith.constant 7040 : i32
      %dma_wait3A_79 = tpu.memref_slice %arg6[%dma_wait3A_78] : memref<10240xf32, #tpu.memory_space<vmem>> -> memref<640xf32, #tpu.memory_space<vmem>>
      %dma_wait3A_80 = tpu.memref_slice %arg8[%add3A_50] : memref<160000xf32, #tpu.memory_space<vmem_shared>> -> memref<640xf32, #tpu.memory_space<vmem_shared>>
      tpu.wait_dma2 semaphore(%run_scoped3A : memref<!tpu.dma_semaphore, #tpu.memory_space<semaphore_mem>>) src(%dma_wait3A_80 : memref<640xf32, #tpu.memory_space<vmem_shared>>) dst(%dma_wait3A_79 : memref<640xf32, #tpu.memory_space<vmem>>)
      tpu.yield
    }) : () -> ()
    %add3A_51 = arith.constant 120000 : i32
    %add3A_52 = arith.addi %add3A_51, %mul3A_26 : i32
    "tpu.region"() ({
      %run_scoped3A = tpu.sem_alloc : memref<!tpu.dma_semaphore, #tpu.memory_space<semaphore_mem>>
      %dma_start3A_69 = arith.constant 7680 : i32
      %dma_start3A_70 = tpu.memref_slice %arg6[%dma_start3A_69] : memref<10240xf32, #tpu.memory_space<vmem>> -> memref<640xf32, #tpu.memory_space<vmem>>
      %dma_start3A_71 = tpu.memref_slice %arg8[%add3A_52] : memref<160000xf32, #tpu.memory_space<vmem_shared>> -> memref<640xf32, #tpu.memory_space<vmem_shared>>
      %dma_start3A_72 = arith.constant 7680 : i32
      %dma_start3A_73 = tpu.memref_slice %arg6[%dma_start3A_72] : memref<10240xf32, #tpu.memory_space<vmem>> -> memref<640xf32, #tpu.memory_space<vmem>>
      %dma_start3A_74 = tpu.memref_slice %arg8[%add3A_52] : memref<160000xf32, #tpu.memory_space<vmem_shared>> -> memref<640xf32, #tpu.memory_space<vmem_shared>>
      tpu.enqueue_dma source(%dma_start3A_74 : memref<640xf32, #tpu.memory_space<vmem_shared>>) target(%dma_start3A_73 : memref<640xf32, #tpu.memory_space<vmem>>) target_semaphore(%run_scoped3A : memref<!tpu.dma_semaphore, #tpu.memory_space<semaphore_mem>>)
      %dma_wait3A_75 = arith.constant 7680 : i32
      %dma_wait3A_76 = tpu.memref_slice %arg6[%dma_wait3A_75] : memref<10240xf32, #tpu.memory_space<vmem>> -> memref<640xf32, #tpu.memory_space<vmem>>
      %dma_wait3A_77 = tpu.memref_slice %arg8[%add3A_52] : memref<160000xf32, #tpu.memory_space<vmem_shared>> -> memref<640xf32, #tpu.memory_space<vmem_shared>>
      %dma_wait3A_78 = arith.constant 7680 : i32
      %dma_wait3A_79 = tpu.memref_slice %arg6[%dma_wait3A_78] : memref<10240xf32, #tpu.memory_space<vmem>> -> memref<640xf32, #tpu.memory_space<vmem>>
      %dma_wait3A_80 = tpu.memref_slice %arg8[%add3A_52] : memref<160000xf32, #tpu.memory_space<vmem_shared>> -> memref<640xf32, #tpu.memory_space<vmem_shared>>
      tpu.wait_dma2 semaphore(%run_scoped3A : memref<!tpu.dma_semaphore, #tpu.memory_space<semaphore_mem>>) src(%dma_wait3A_80 : memref<640xf32, #tpu.memory_space<vmem_shared>>) dst(%dma_wait3A_79 : memref<640xf32, #tpu.memory_space<vmem>>)
      tpu.yield
    }) : () -> ()
    %add3A_53 = arith.constant 130000 : i32
    %add3A_54 = arith.addi %add3A_53, %mul3A_26 : i32
    "tpu.region"() ({
      %run_scoped3A = tpu.sem_alloc : memref<!tpu.dma_semaphore, #tpu.memory_space<semaphore_mem>>
      %dma_start3A_69 = arith.constant 8320 : i32
      %dma_start3A_70 = tpu.memref_slice %arg6[%dma_start3A_69] : memref<10240xf32, #tpu.memory_space<vmem>> -> memref<640xf32, #tpu.memory_space<vmem>>
      %dma_start3A_71 = tpu.memref_slice %arg8[%add3A_54] : memref<160000xf32, #tpu.memory_space<vmem_shared>> -> memref<640xf32, #tpu.memory_space<vmem_shared>>
      %dma_start3A_72 = arith.constant 8320 : i32
      %dma_start3A_73 = tpu.memref_slice %arg6[%dma_start3A_72] : memref<10240xf32, #tpu.memory_space<vmem>> -> memref<640xf32, #tpu.memory_space<vmem>>
      %dma_start3A_74 = tpu.memref_slice %arg8[%add3A_54] : memref<160000xf32, #tpu.memory_space<vmem_shared>> -> memref<640xf32, #tpu.memory_space<vmem_shared>>
      tpu.enqueue_dma source(%dma_start3A_74 : memref<640xf32, #tpu.memory_space<vmem_shared>>) target(%dma_start3A_73 : memref<640xf32, #tpu.memory_space<vmem>>) target_semaphore(%run_scoped3A : memref<!tpu.dma_semaphore, #tpu.memory_space<semaphore_mem>>)
      %dma_wait3A_75 = arith.constant 8320 : i32
      %dma_wait3A_76 = tpu.memref_slice %arg6[%dma_wait3A_75] : memref<10240xf32, #tpu.memory_space<vmem>> -> memref<640xf32, #tpu.memory_space<vmem>>
      %dma_wait3A_77 = tpu.memref_slice %arg8[%add3A_54] : memref<160000xf32, #tpu.memory_space<vmem_shared>> -> memref<640xf32, #tpu.memory_space<vmem_shared>>
      %dma_wait3A_78 = arith.constant 8320 : i32
      %dma_wait3A_79 = tpu.memref_slice %arg6[%dma_wait3A_78] : memref<10240xf32, #tpu.memory_space<vmem>> -> memref<640xf32, #tpu.memory_space<vmem>>
      %dma_wait3A_80 = tpu.memref_slice %arg8[%add3A_54] : memref<160000xf32, #tpu.memory_space<vmem_shared>> -> memref<640xf32, #tpu.memory_space<vmem_shared>>
      tpu.wait_dma2 semaphore(%run_scoped3A : memref<!tpu.dma_semaphore, #tpu.memory_space<semaphore_mem>>) src(%dma_wait3A_80 : memref<640xf32, #tpu.memory_space<vmem_shared>>) dst(%dma_wait3A_79 : memref<640xf32, #tpu.memory_space<vmem>>)
      tpu.yield
    }) : () -> ()
    %add3A_55 = arith.constant 140000 : i32
    %add3A_56 = arith.addi %add3A_55, %mul3A_26 : i32
    "tpu.region"() ({
      %run_scoped3A = tpu.sem_alloc : memref<!tpu.dma_semaphore, #tpu.memory_space<semaphore_mem>>
      %dma_start3A_69 = arith.constant 8960 : i32
      %dma_start3A_70 = tpu.memref_slice %arg6[%dma_start3A_69] : memref<10240xf32, #tpu.memory_space<vmem>> -> memref<640xf32, #tpu.memory_space<vmem>>
      %dma_start3A_71 = tpu.memref_slice %arg8[%add3A_56] : memref<160000xf32, #tpu.memory_space<vmem_shared>> -> memref<640xf32, #tpu.memory_space<vmem_shared>>
      %dma_start3A_72 = arith.constant 8960 : i32
      %dma_start3A_73 = tpu.memref_slice %arg6[%dma_start3A_72] : memref<10240xf32, #tpu.memory_space<vmem>> -> memref<640xf32, #tpu.memory_space<vmem>>
      %dma_start3A_74 = tpu.memref_slice %arg8[%add3A_56] : memref<160000xf32, #tpu.memory_space<vmem_shared>> -> memref<640xf32, #tpu.memory_space<vmem_shared>>
      tpu.enqueue_dma source(%dma_start3A_74 : memref<640xf32, #tpu.memory_space<vmem_shared>>) target(%dma_start3A_73 : memref<640xf32, #tpu.memory_space<vmem>>) target_semaphore(%run_scoped3A : memref<!tpu.dma_semaphore, #tpu.memory_space<semaphore_mem>>)
      %dma_wait3A_75 = arith.constant 8960 : i32
      %dma_wait3A_76 = tpu.memref_slice %arg6[%dma_wait3A_75] : memref<10240xf32, #tpu.memory_space<vmem>> -> memref<640xf32, #tpu.memory_space<vmem>>
      %dma_wait3A_77 = tpu.memref_slice %arg8[%add3A_56] : memref<160000xf32, #tpu.memory_space<vmem_shared>> -> memref<640xf32, #tpu.memory_space<vmem_shared>>
      %dma_wait3A_78 = arith.constant 8960 : i32
      %dma_wait3A_79 = tpu.memref_slice %arg6[%dma_wait3A_78] : memref<10240xf32, #tpu.memory_space<vmem>> -> memref<640xf32, #tpu.memory_space<vmem>>
      %dma_wait3A_80 = tpu.memref_slice %arg8[%add3A_56] : memref<160000xf32, #tpu.memory_space<vmem_shared>> -> memref<640xf32, #tpu.memory_space<vmem_shared>>
      tpu.wait_dma2 semaphore(%run_scoped3A : memref<!tpu.dma_semaphore, #tpu.memory_space<semaphore_mem>>) src(%dma_wait3A_80 : memref<640xf32, #tpu.memory_space<vmem_shared>>) dst(%dma_wait3A_79 : memref<640xf32, #tpu.memory_space<vmem>>)
      tpu.yield
    }) : () -> ()
    %add3A_57 = arith.constant 150000 : i32
    %add3A_58 = arith.addi %add3A_57, %mul3A_26 : i32
    "tpu.region"() ({
      %run_scoped3A = tpu.sem_alloc : memref<!tpu.dma_semaphore, #tpu.memory_space<semaphore_mem>>
      %dma_start3A_69 = arith.constant 9600 : i32
      %dma_start3A_70 = tpu.memref_slice %arg6[%dma_start3A_69] : memref<10240xf32, #tpu.memory_space<vmem>> -> memref<640xf32, #tpu.memory_space<vmem>>
      %dma_start3A_71 = tpu.memref_slice %arg8[%add3A_58] : memref<160000xf32, #tpu.memory_space<vmem_shared>> -> memref<640xf32, #tpu.memory_space<vmem_shared>>
      %dma_start3A_72 = arith.constant 9600 : i32
      %dma_start3A_73 = tpu.memref_slice %arg6[%dma_start3A_72] : memref<10240xf32, #tpu.memory_space<vmem>> -> memref<640xf32, #tpu.memory_space<vmem>>
      %dma_start3A_74 = tpu.memref_slice %arg8[%add3A_58] : memref<160000xf32, #tpu.memory_space<vmem_shared>> -> memref<640xf32, #tpu.memory_space<vmem_shared>>
      tpu.enqueue_dma source(%dma_start3A_74 : memref<640xf32, #tpu.memory_space<vmem_shared>>) target(%dma_start3A_73 : memref<640xf32, #tpu.memory_space<vmem>>) target_semaphore(%run_scoped3A : memref<!tpu.dma_semaphore, #tpu.memory_space<semaphore_mem>>)
      %dma_wait3A_75 = arith.constant 9600 : i32
      %dma_wait3A_76 = tpu.memref_slice %arg6[%dma_wait3A_75] : memref<10240xf32, #tpu.memory_space<vmem>> -> memref<640xf32, #tpu.memory_space<vmem>>
      %dma_wait3A_77 = tpu.memref_slice %arg8[%add3A_58] : memref<160000xf32, #tpu.memory_space<vmem_shared>> -> memref<640xf32, #tpu.memory_space<vmem_shared>>
      %dma_wait3A_78 = arith.constant 9600 : i32
      %dma_wait3A_79 = tpu.memref_slice %arg6[%dma_wait3A_78] : memref<10240xf32, #tpu.memory_space<vmem>> -> memref<640xf32, #tpu.memory_space<vmem>>
      %dma_wait3A_80 = tpu.memref_slice %arg8[%add3A_58] : memref<160000xf32, #tpu.memory_space<vmem_shared>> -> memref<640xf32, #tpu.memory_space<vmem_shared>>
      tpu.wait_dma2 semaphore(%run_scoped3A : memref<!tpu.dma_semaphore, #tpu.memory_space<semaphore_mem>>) src(%dma_wait3A_80 : memref<640xf32, #tpu.memory_space<vmem_shared>>) dst(%dma_wait3A_79 : memref<640xf32, #tpu.memory_space<vmem>>)
      tpu.yield
    }) : () -> ()
    %scan3A_59 = arith.constant 0 : i32
    %scan3A_60 = arith.constant 0 : i32
    %scan3A_61 = arith.constant 40 : i32
    %scan3A_62 = arith.addi %scan3A_60, %scan3A_61 : i32
    %scan3A_63 = arith.constant 1 : i32
    %scan3A_64 = scf.for %scan3A_69 = %scan3A_60 to %scan3A_62 step %scan3A_63 iter_args(%scan3A_70 = %scan3A_59) -> (i32)  : i32 {
      %mul3A_71 = arith.constant 16 : i32
      %mul3A_72 = arith.muli %scan3A_69, %mul3A_71 : i32
      %add3A_73 = arith.constant 0 : i32
      %add3A_74 = arith.addi %add3A_73, %mul3A_72 : i32
      %get3A = arith.index_cast %add3A_74 : i32 to index
      %get3A_75 = tpu.vector_load %arg6[%get3A] {strides = array<i32>} : memref<10240xf32, #tpu.memory_space<vmem>>, vector<16xf32>,
      %add3A_76 = arith.addf %broadcast_in_dim3A_6, %get3A_75 : vector<16xf32>
      %mul3A_77 = arith.constant 16 : i32
      %mul3A_78 = arith.muli %scan3A_69, %mul3A_77 : i32
      %add3A_79 = arith.constant 640 : i32
      %add3A_80 = arith.addi %add3A_79, %mul3A_78 : i32
      %get3A_81 = arith.index_cast %add3A_80 : i32 to index
      %get3A_82 = tpu.vector_load %arg6[%get3A_81] {strides = array<i32>} : memref<10240xf32, #tpu.memory_space<vmem>>, vector<16xf32>,
      %add3A_83 = arith.addf %add3A_76, %get3A_82 : vector<16xf32>
      %mul3A_84 = arith.constant 16 : i32
      %mul3A_85 = arith.muli %scan3A_69, %mul3A_84 : i32
      %add3A_86 = arith.constant 1280 : i32
      %add3A_87 = arith.addi %add3A_86, %mul3A_85 : i32
      %get3A_88 = arith.index_cast %add3A_87 : i32 to index
      %get3A_89 = tpu.vector_load %arg6[%get3A_88] {strides = array<i32>} : memref<10240xf32, #tpu.memory_space<vmem>>, vector<16xf32>,
      %add3A_90 = arith.addf %add3A_83, %get3A_89 : vector<16xf32>
      %mul3A_91 = arith.constant 16 : i32
      %mul3A_92 = arith.muli %scan3A_69, %mul3A_91 : i32
      %add3A_93 = arith.constant 1920 : i32
      %add3A_94 = arith.addi %add3A_93, %mul3A_92 : i32
      %get3A_95 = arith.index_cast %add3A_94 : i32 to index
      %get3A_96 = tpu.vector_load %arg6[%get3A_95] {strides = array<i32>} : memref<10240xf32, #tpu.memory_space<vmem>>, vector<16xf32>,
      %add3A_97 = arith.addf %add3A_90, %get3A_96 : vector<16xf32>
      %mul3A_98 = arith.constant 16 : i32
      %mul3A_99 = arith.muli %scan3A_69, %mul3A_98 : i32
      %add3A_100 = arith.constant 2560 : i32
      %add3A_101 = arith.addi %add3A_100, %mul3A_99 : i32
      %get3A_102 = arith.index_cast %add3A_101 : i32 to index
      %get3A_103 = tpu.vector_load %arg6[%get3A_102] {strides = array<i32>} : memref<10240xf32, #tpu.memory_space<vmem>>, vector<16xf32>,
      %add3A_104 = arith.addf %add3A_97, %get3A_103 : vector<16xf32>
      %mul3A_105 = arith.constant 16 : i32
      %mul3A_106 = arith.muli %scan3A_69, %mul3A_105 : i32
      %add3A_107 = arith.constant 3200 : i32
      %add3A_108 = arith.addi %add3A_107, %mul3A_106 : i32
      %get3A_109 = arith.index_cast %add3A_108 : i32 to index
      %get3A_110 = tpu.vector_load %arg6[%get3A_109] {strides = array<i32>} : memref<10240xf32, #tpu.memory_space<vmem>>, vector<16xf32>,
      %add3A_111 = arith.addf %add3A_104, %get3A_110 : vector<16xf32>
      %mul3A_112 = arith.constant 16 : i32
      %mul3A_113 = arith.muli %scan3A_69, %mul3A_112 : i32
      %add3A_114 = arith.constant 3840 : i32
      %add3A_115 = arith.addi %add3A_114, %mul3A_113 : i32
      %get3A_116 = arith.index_cast %add3A_115 : i32 to index
      %get3A_117 = tpu.vector_load %arg6[%get3A_116] {strides = array<i32>} : memref<10240xf32, #tpu.memory_space<vmem>>, vector<16xf32>,
      %add3A_118 = arith.addf %add3A_111, %get3A_117 : vector<16xf32>
      %mul3A_119 = arith.constant 16 : i32
      %mul3A_120 = arith.muli %scan3A_69, %mul3A_119 : i32
      %add3A_121 = arith.constant 4480 : i32
      %add3A_122 = arith.addi %add3A_121, %mul3A_120 : i32
      %get3A_123 = arith.index_cast %add3A_122 : i32 to index
      %get3A_124 = tpu.vector_load %arg6[%get3A_123] {strides = array<i32>} : memref<10240xf32, #tpu.memory_space<vmem>>, vector<16xf32>,
      %add3A_125 = arith.addf %add3A_118, %get3A_124 : vector<16xf32>
      %mul3A_126 = arith.constant 16 : i32
      %mul3A_127 = arith.muli %scan3A_69, %mul3A_126 : i32
      %add3A_128 = arith.constant 5120 : i32
      %add3A_129 = arith.addi %add3A_128, %mul3A_127 : i32
      %get3A_130 = arith.index_cast %add3A_129 : i32 to index
      %get3A_131 = tpu.vector_load %arg6[%get3A_130] {strides = array<i32>} : memref<10240xf32, #tpu.memory_space<vmem>>, vector<16xf32>,
      %add3A_132 = arith.addf %add3A_125, %get3A_131 : vector<16xf32>
      %mul3A_133 = arith.constant 16 : i32
      %mul3A_134 = arith.muli %scan3A_69, %mul3A_133 : i32
      %add3A_135 = arith.constant 5760 : i32
      %add3A_136 = arith.addi %add3A_135, %mul3A_134 : i32
      %get3A_137 = arith.index_cast %add3A_136 : i32 to index
      %get3A_138 = tpu.vector_load %arg6[%get3A_137] {strides = array<i32>} : memref<10240xf32, #tpu.memory_space<vmem>>, vector<16xf32>,
      %add3A_139 = arith.addf %add3A_132, %get3A_138 : vector<16xf32>
      %mul3A_140 = arith.constant 16 : i32
      %mul3A_141 = arith.muli %scan3A_69, %mul3A_140 : i32
      %add3A_142 = arith.constant 6400 : i32
      %add3A_143 = arith.addi %add3A_142, %mul3A_141 : i32
      %get3A_144 = arith.index_cast %add3A_143 : i32 to index
      %get3A_145 = tpu.vector_load %arg6[%get3A_144] {strides = array<i32>} : memref<10240xf32, #tpu.memory_space<vmem>>, vector<16xf32>,
      %add3A_146 = arith.addf %add3A_139, %get3A_145 : vector<16xf32>
      %mul3A_147 = arith.constant 16 : i32
      %mul3A_148 = arith.muli %scan3A_69, %mul3A_147 : i32
      %add3A_149 = arith.constant 7040 : i32
      %add3A_150 = arith.addi %add3A_149, %mul3A_148 : i32
      %get3A_151 = arith.index_cast %add3A_150 : i32 to index
      %get3A_152 = tpu.vector_load %arg6[%get3A_151] {strides = array<i32>} : memref<10240xf32, #tpu.memory_space<vmem>>, vector<16xf32>,
      %add3A_153 = arith.addf %add3A_146, %get3A_152 : vector<16xf32>
      %mul3A_154 = arith.constant 16 : i32
      %mul3A_155 = arith.muli %scan3A_69, %mul3A_154 : i32
      %add3A_156 = arith.constant 7680 : i32
      %add3A_157 = arith.addi %add3A_156, %mul3A_155 : i32
      %get3A_158 = arith.index_cast %add3A_157 : i32 to index
      %get3A_159 = tpu.vector_load %arg6[%get3A_158] {strides = array<i32>} : memref<10240xf32, #tpu.memory_space<vmem>>, vector<16xf32>,
      %add3A_160 = arith.addf %add3A_153, %get3A_159 : vector<16xf32>
      %mul3A_161 = arith.constant 16 : i32
      %mul3A_162 = arith.muli %scan3A_69, %mul3A_161 : i32
      %add3A_163 = arith.constant 8320 : i32
      %add3A_164 = arith.addi %add3A_163, %mul3A_162 : i32
      %get3A_165 = arith.index_cast %add3A_164 : i32 to index
      %get3A_166 = tpu.vector_load %arg6[%get3A_165] {strides = array<i32>} : memref<10240xf32, #tpu.memory_space<vmem>>, vector<16xf32>,
      %add3A_167 = arith.addf %add3A_160, %get3A_166 : vector<16xf32>
      %mul3A_168 = arith.constant 16 : i32
      %mul3A_169 = arith.muli %scan3A_69, %mul3A_168 : i32
      %add3A_170 = arith.constant 8960 : i32
      %add3A_171 = arith.addi %add3A_170, %mul3A_169 : i32
      %get3A_172 = arith.index_cast %add3A_171 : i32 to index
      %get3A_173 = tpu.vector_load %arg6[%get3A_172] {strides = array<i32>} : memref<10240xf32, #tpu.memory_space<vmem>>, vector<16xf32>,
      %add3A_174 = arith.addf %add3A_167, %get3A_173 : vector<16xf32>
      %mul3A_175 = arith.constant 16 : i32
      %mul3A_176 = arith.muli %scan3A_69, %mul3A_175 : i32
      %add3A_177 = arith.constant 9600 : i32
      %add3A_178 = arith.addi %add3A_177, %mul3A_176 : i32
      %get3A_179 = arith.index_cast %add3A_178 : i32 to index
      %get3A_180 = tpu.vector_load %arg6[%get3A_179] {strides = array<i32>} : memref<10240xf32, #tpu.memory_space<vmem>>, vector<16xf32>,
      %add3A_181 = arith.addf %add3A_174, %get3A_180 : vector<16xf32>
      %mul3A_182 = arith.constant 16 : i32
      %mul3A_183 = arith.muli %scan3A_69, %mul3A_182 : i32
      %swap3A = arith.index_cast %mul3A_183 : i32 to index
      %swap3A_184 = tpu.vector_load %arg7[%swap3A] {strides = array<i32>} : memref<640xf32, #tpu.memory_space<vmem>>, vector<16xf32>,
      tpu.vector_store %arg7[%swap3A], %add3A_181 {strides = array<i32>} : memref<640xf32, #tpu.memory_space<vmem>>, vector<16xf32>,
      %scan3A_185 = arith.constant 0 : i32
      scf.yield %scan3A_185 : i32
    }
    %scan3A_65 = arith.constant 40 : i32
    %mul3A_66 = arith.constant 10000 : i32
    %mul3A_67 = arith.muli %arg0, %mul3A_66 : i32
    %add3A_68 = arith.addi %mul3A_67, %mul3A_26 : i32
    "tpu.region"() ({
      %run_scoped3A = tpu.sem_alloc : memref<!tpu.dma_semaphore, #tpu.memory_space<semaphore_mem>>
      %dma_start3A_69 = tpu.memref_slice %arg3[%add3A_68] : memref<20000xf32, #tpu.memory_space<hbm>> -> memref<640xf32, #tpu.memory_space<hbm>>
      %dma_start3A_70 = tpu.memref_slice %arg3[%add3A_68] : memref<20000xf32, #tpu.memory_space<hbm>> -> memref<640xf32, #tpu.memory_space<hbm>>
      tpu.enqueue_dma source(%arg7 : memref<640xf32, #tpu.memory_space<vmem>>) target(%dma_start3A_70 : memref<640xf32, #tpu.memory_space<hbm>>) target_semaphore(%run_scoped3A : memref<!tpu.dma_semaphore, #tpu.memory_space<semaphore_mem>>)
      %dma_wait3A_71 = tpu.memref_slice %arg3[%add3A_68] : memref<20000xf32, #tpu.memory_space<hbm>> -> memref<640xf32, #tpu.memory_space<hbm>>
      %dma_wait3A_72 = tpu.memref_slice %arg3[%add3A_68] : memref<20000xf32, #tpu.memory_space<hbm>> -> memref<640xf32, #tpu.memory_space<hbm>>
      tpu.wait_dma2 semaphore(%run_scoped3A : memref<!tpu.dma_semaphore, #tpu.memory_space<semaphore_mem>>) src(%arg7 : memref<640xf32, #tpu.memory_space<vmem>>) dst(%dma_wait3A_72 : memref<640xf32, #tpu.memory_space<hbm>>)
      tpu.yield
    }) : () -> ()
    return
  }
}

module attributes {stable_mosaic.version = 14 : i64} {
  func.func @_mlp_body(%arg0: i32, %arg1: memref<2000x128xf32, #tpu.memory_space<vmem>>, %arg2: memref<16x125xf32, #tpu.memory_space<vmem>>, %arg3: memref<128x128xf32, #tpu.memory_space<vmem>>, %arg4: memref<1x128xf32, #tpu.memory_space<vmem>>, %arg5: memref<128x128xf32, #tpu.memory_space<vmem>>, %arg6: memref<1x128xf32, #tpu.memory_space<vmem>>, %arg7: memref<2000x128xf32, #tpu.memory_space<vmem>>) attributes {dimension_semantics = [#tpu.dimension_semantics<arbitrary>], iteration_bounds = array<i64: 5>, scalar_prefetch = 0 : i64, scratch_operands = 0 : i64, tpu.core_type = #tpu.core_type<tc>, window_params = [{transform_indices = @transform_0, window_bounds = array<i64: 2000, 128>}, {transform_indices = @transform_1, window_bounds = array<i64: 16, 125>}, {pipeline_mode = #tpu.pipeline_mode<synchronous>, transform_indices = @transform_2, window_bounds = array<i64: 128, 128>}, {pipeline_mode = #tpu.pipeline_mode<synchronous>, transform_indices = @transform_3, window_bounds = array<i64: 1, 128>}, {pipeline_mode = #tpu.pipeline_mode<synchronous>, transform_indices = @transform_4, window_bounds = array<i64: 128, 128>}, {pipeline_mode = #tpu.pipeline_mode<synchronous>, transform_indices = @transform_5, window_bounds = array<i64: 1, 128>}, {transform_indices = @transform_6, window_bounds = array<i64: 2000, 128>}]} {
    %get3A = arith.constant 0 : index
    %get3A_0 = arith.constant 0 : index
    %get3A_1 = vector.load %arg2[%get3A, %get3A_0] : memref<16x125xf32, #tpu.memory_space<vmem>>, vector<16x125xf32>
    %broadcast_in_dim3A = vector.shape_cast %get3A_1 : vector<16x125xf32> to vector<16x125x1xf32>
    %broadcast_in_dim3A_2 = vector.broadcast %broadcast_in_dim3A : vector<16x125x1xf32> to vector<16x125x128xf32>
    %reshape3A = vector.shape_cast %broadcast_in_dim3A_2 : vector<16x125x128xf32> to vector<2000x128xf32>
    %get3A_3 = arith.constant 0 : index
    %get3A_4 = arith.constant 0 : index
    %get3A_5 = vector.load %arg1[%get3A_3, %get3A_4] : memref<2000x128xf32, #tpu.memory_space<vmem>>, vector<2000x128xf32>
    %get3A_6 = arith.constant 0 : index
    %get3A_7 = arith.constant 0 : index
    %get3A_8 = vector.load %arg3[%get3A_6, %get3A_7] : memref<128x128xf32, #tpu.memory_space<vmem>>, vector<128x128xf32>
    %dot_general3A = arith.constant dense<0.000000e+00> : vector<2000x128xf32>
    %dot_general3A_9 = tpu.matmul %get3A_5, %get3A_8, %dot_general3A {dimension_numbers = #tpu.dot_dimension_numbers<[1], [0], [0], [1], [0, 0, 1, 1], [], []>, transpose_lhs_hint = false} : vector<2000x128xf32>, vector<128x128xf32>, vector<2000x128xf32> -> vector<2000x128xf32>
    %get3A_10 = arith.constant 0 : index
    %get3A_11 = arith.constant 0 : index
    %get3A_12 = vector.load %arg4[%get3A_10, %get3A_11] : memref<1x128xf32, #tpu.memory_space<vmem>>, vector<1x128xf32>
    %add3A = vector.broadcast %get3A_12 : vector<1x128xf32> to vector<2000x128xf32>
    %add3A_13 = arith.addf %dot_general3A_9, %add3A : vector<2000x128xf32>
    %max3A = arith.constant 0.000000e+00 : f32
    %max3A_14 = vector.broadcast %max3A : f32 to vector<2000x128xf32>
    %max3A_15 = arith.maximumf %add3A_13, %max3A_14 : vector<2000x128xf32>
    %get3A_16 = arith.constant 0 : index
    %get3A_17 = arith.constant 0 : index
    %get3A_18 = vector.load %arg5[%get3A_16, %get3A_17] : memref<128x128xf32, #tpu.memory_space<vmem>>, vector<128x128xf32>
    %dot_general3A_19 = arith.constant dense<0.000000e+00> : vector<2000x128xf32>
    %dot_general3A_20 = tpu.matmul %max3A_15, %get3A_18, %dot_general3A_19 {dimension_numbers = #tpu.dot_dimension_numbers<[1], [0], [0], [1], [0, 0, 1, 1], [], []>, transpose_lhs_hint = false} : vector<2000x128xf32>, vector<128x128xf32>, vector<2000x128xf32> -> vector<2000x128xf32>
    %get3A_21 = arith.constant 0 : index
    %get3A_22 = arith.constant 0 : index
    %get3A_23 = vector.load %arg6[%get3A_21, %get3A_22] : memref<1x128xf32, #tpu.memory_space<vmem>>, vector<1x128xf32>
    %add3A_24 = vector.broadcast %get3A_23 : vector<1x128xf32> to vector<2000x128xf32>
    %add3A_25 = arith.addf %dot_general3A_20, %add3A_24 : vector<2000x128xf32>
    %mul3A = arith.mulf %add3A_25, %reshape3A : vector<2000x128xf32>
    %swap3A = arith.constant 0 : index
    %swap3A_26 = arith.constant 0 : index
    %swap3A_27 = vector.load %arg7[%swap3A, %swap3A_26] : memref<2000x128xf32, #tpu.memory_space<vmem>>, vector<2000x128xf32>
    tpu.vector_store %arg7[%swap3A, %swap3A_26], %mul3A {strides = array<i32>} : memref<2000x128xf32, #tpu.memory_space<vmem>>, vector<2000x128xf32>,
    return
  }
  func.func @transform_0(%arg0: i32) -> (i32, i32) {
    %c0_i32 = arith.constant 0 : i32
    %c0_i32_0 = arith.constant 0 : i32
    return %arg0, %c0_i32 : i32, i32
  }
  func.func @transform_1(%arg0: i32) -> (i32, i32) {
    %c0_i32 = arith.constant 0 : i32
    %c0_i32_0 = arith.constant 0 : i32
    return %arg0, %c0_i32 : i32, i32
  }
  func.func @transform_2(%arg0: i32) -> (i32, i32) {
    %c0_i32 = arith.constant 0 : i32
    %c0_i32_0 = arith.constant 0 : i32
    %c0_i32_1 = arith.constant 0 : i32
    return %c0_i32, %c0_i32_0 : i32, i32
  }
  func.func @transform_3(%arg0: i32) -> (i32, i32) {
    %c0_i32 = arith.constant 0 : i32
    %c0_i32_0 = arith.constant 0 : i32
    %c0_i32_1 = arith.constant 0 : i32
    return %c0_i32, %c0_i32_0 : i32, i32
  }
  func.func @transform_4(%arg0: i32) -> (i32, i32) {
    %c0_i32 = arith.constant 0 : i32
    %c0_i32_0 = arith.constant 0 : i32
    %c0_i32_1 = arith.constant 0 : i32
    return %c0_i32, %c0_i32_0 : i32, i32
  }
  func.func @transform_5(%arg0: i32) -> (i32, i32) {
    %c0_i32 = arith.constant 0 : i32
    %c0_i32_0 = arith.constant 0 : i32
    %c0_i32_1 = arith.constant 0 : i32
    return %c0_i32, %c0_i32_0 : i32, i32
  }
  func.func @transform_6(%arg0: i32) -> (i32, i32) {
    %c0_i32 = arith.constant 0 : i32
    %c0_i32_0 = arith.constant 0 : i32
    return %arg0, %c0_i32 : i32, i32
  }
}

module attributes {stable_mosaic.version = 14 : i64} {
  func.func @_final_body(%arg0: i32, %arg1: memref<2x2000x128xf32, #tpu.memory_space<vmem>>, %arg2: memref<16x125xf32, #tpu.memory_space<vmem>>, %arg3: memref<2000x128xf32, #tpu.memory_space<vmem>>) attributes {dimension_semantics = [#tpu.dimension_semantics<arbitrary>], iteration_bounds = array<i64: 5>, scalar_prefetch = 0 : i64, scratch_operands = 0 : i64, tpu.core_type = #tpu.core_type<tc>, window_params = [{transform_indices = @transform_0, window_bounds = array<i64: 2, 2000, 128>}, {transform_indices = @transform_1, window_bounds = array<i64: 16, 125>}, {transform_indices = @transform_2, window_bounds = array<i64: 2000, 128>}]} {
    %get3A = arith.constant 0 : index
    %get3A_0 = arith.constant 0 : index
    %get3A_1 = vector.load %arg2[%get3A, %get3A_0] : memref<16x125xf32, #tpu.memory_space<vmem>>, vector<16x125xf32>
    %broadcast_in_dim3A = vector.shape_cast %get3A_1 : vector<16x125xf32> to vector<16x125x1xf32>
    %broadcast_in_dim3A_2 = vector.broadcast %broadcast_in_dim3A : vector<16x125x1xf32> to vector<16x125x128xf32>
    %reshape3A = vector.shape_cast %broadcast_in_dim3A_2 : vector<16x125x128xf32> to vector<2000x128xf32>
    %get3A_3 = arith.constant 0 : index
    %get3A_4 = arith.constant 0 : index
    %get3A_5 = arith.constant 0 : index
    %get3A_6 = vector.load %arg1[%get3A_3, %get3A_4, %get3A_5] : memref<2x2000x128xf32, #tpu.memory_space<vmem>>, vector<1x2000x128xf32>
    %get3A_7 = vector.shape_cast %get3A_6 : vector<1x2000x128xf32> to vector<2000x128xf32>
    %get3A_8 = arith.constant 1 : index
    %get3A_9 = arith.constant 0 : index
    %get3A_10 = arith.constant 0 : index
    %get3A_11 = vector.load %arg1[%get3A_8, %get3A_9, %get3A_10] : memref<2x2000x128xf32, #tpu.memory_space<vmem>>, vector<1x2000x128xf32>
    %get3A_12 = vector.shape_cast %get3A_11 : vector<1x2000x128xf32> to vector<2000x128xf32>
    %add3A = arith.addf %get3A_7, %get3A_12 : vector<2000x128xf32>
    %mul3A = arith.mulf %add3A, %reshape3A : vector<2000x128xf32>
    %reduce_max3A = arith.constant dense<0xFF800000> : vector<2000xf32>
    %reduce_max3A_13 = vector.multi_reduction <maximumf>, %mul3A, %reduce_max3A [1] : vector<2000x128xf32> to vector<2000xf32>
    %broadcast_in_dim3A_14 = vector.shape_cast %reduce_max3A_13 : vector<2000xf32> to vector<2000x1xf32>
    %sub3A = vector.broadcast %broadcast_in_dim3A_14 : vector<2000x1xf32> to vector<2000x128xf32>
    %sub3A_15 = arith.subf %mul3A, %sub3A : vector<2000x128xf32>
    %exp3A = math.exp %sub3A_15 : vector<2000x128xf32>
    %reduce_sum3A = arith.constant dense<0.000000e+00> : vector<2000xf32>
    %reduce_sum3A_16 = vector.multi_reduction <add>, %exp3A, %reduce_sum3A [1] : vector<2000x128xf32> to vector<2000xf32>
    %broadcast_in_dim3A_17 = vector.shape_cast %reduce_sum3A_16 : vector<2000xf32> to vector<2000x1xf32>
    %log3A = math.log %broadcast_in_dim3A_17 : vector<2000x1xf32>
    %add3A_18 = arith.addf %log3A, %broadcast_in_dim3A_14 : vector<2000x1xf32>
    %sub3A_19 = vector.broadcast %add3A_18 : vector<2000x1xf32> to vector<2000x128xf32>
    %sub3A_20 = arith.subf %mul3A, %sub3A_19 : vector<2000x128xf32>
    %swap3A = arith.constant 0 : index
    %swap3A_21 = arith.constant 0 : index
    %swap3A_22 = vector.load %arg3[%swap3A, %swap3A_21] : memref<2000x128xf32, #tpu.memory_space<vmem>>, vector<2000x128xf32>
    tpu.vector_store %arg3[%swap3A, %swap3A_21], %sub3A_20 {strides = array<i32>} : memref<2000x128xf32, #tpu.memory_space<vmem>>, vector<2000x128xf32>,
    return
  }
  func.func @transform_0(%arg0: i32) -> (i32, i32, i32) {
    %c0_i32 = arith.constant 0 : i32
    %c0_i32_0 = arith.constant 0 : i32
    %c0_i32_1 = arith.constant 0 : i32
    return %c0_i32, %arg0, %c0_i32_0 : i32, i32, i32
  }
  func.func @transform_1(%arg0: i32) -> (i32, i32) {
    %c0_i32 = arith.constant 0 : i32
    %c0_i32_0 = arith.constant 0 : i32
    return %arg0, %c0_i32 : i32, i32
  }
  func.func @transform_2(%arg0: i32) -> (i32, i32) {
    %c0_i32 = arith.constant 0 : i32
    %c0_i32_0 = arith.constant 0 : i32
    return %arg0, %c0_i32 : i32, i32
  }
}

</mosaic_0001>

<sc_bundles>
// kernel: kernel.6.cloned.1.call-start
scs
__scs_entry_jumppad:
0x0: {  	(pc) =	sbr.rel $0x88, $3  }
0x1: {  	(tag) =	ssettag $0x0;
	lr =	simm.s32 $0x1  }
0x2: {  	[smem:$0x3F9B] =	sst lr;
	_ =	strace $0xD0000000  }
0x3: {  	_ = 	snop  }
0x4: {  	_ = 	snop  }
0x5: {  	_ = 	snop  }
0x6: {  	_ = 	snop  }
0x7: {  	_ = 	snop  }
__scs_overlays_trampoline_lowered:
0x8: {  	[smem:$0x3FAA] =	sst s0  }
0x9: {  	[smem:$0x3FAB] =	sst s1  }
0xa: {  	[smem:$0x3FAC] =	sst s2  }
0xb: {  	[smem:$0x3FAD] =	sst s3  }
0xc: {  	[smem:$0x3FAE] =	sst s4  }
0xd: {  	[smem:$0x3FAF] =	sst s5  }
0xe: {  	[smem:$0x3FB0] =	sst s6  }
0xf: {  	[smem:$0x3FB1] =	sst s7  }
0x10: {  	[smem:$0x3FB2] =	sst s8  }
0x11: {  	[smem:$0x3FB3] =	sst s9;
	s0 =	simm.s32 @!p0 $0x0  }
0x12: {  	s1 =	sld [smem:$0x3F99];
	s0 =	simm.s32 @p0 $0x1  }
0x13: {  	[smem:$0x3FB4] =	sst s0;
	s0 =	simm.s32 @!p1 $0x0  }
0x14: {  	s2 =	sld [smem:$0x3F98];
	s0 =	simm.s32 @p1 $0x1  }
0x15: {  	[smem:$0x3FB5] =	sst s0;
	s0 =	simm.s32 @!p2 $0x0  }
0x16: {  	s3 =	sld [smem:$0x3FDB];
	s0 =	simm.s32 @p2 $0x1  }
0x17: {  	s4 =	simm.s32 $0x1BF5;
	[smem:$0x3FB7] =	sst s0  }
0x18: {  	s0 =	sld [smem:$0x3F9A];
	_ =	swait.ge [sflag:s4], $0x0  }
0x19: {  	s7 =	sld [smem:$0x3F9B]  }
0x1a: {  	s8 =	sadd.s32 $0xFFFFE003, lr  }
0x1b: {  	s9 =	sadd.s32 $0xFFFFFEF7, lr;
	s5 =	simm.s32 $0xFFFFFFFF;
	p2 =	slt.u32 s8, $0xFFFFF086  }
0x1c: {  	p1 =	slt.u32 s9, $0xF7A;
	s5 =	simm.s32 @!p2 $0x0  }
0x1d: {  	s5 =	simm.s32 @p1 $0x1;
	p0 =	seq.s32 s7, s2  }
0x1e: {  	s7 =	smul.u32 @!p0 $0xF7A, s2;
	p2 =	seq.s32 @!p0 s5, $0x0  }
0x1f: {  	s9 =	smul.u32 $0xF7A, s1;
	s8 =	simm.s32 @!p0 $0x1BF5;
	p2 =	por !p2, p0  }
0x20: {  	[sflag:s8] =	ssyncset.s32 @!p0 $0xFFFFF086;
	s6 =	sadd.s32 @!p0 s3, s7;
	s7 =	simm.s32 @!p0 $0x108  }
0x21: {  	s3 =	sadd.s32 s3, s9;
	s6 =	sadd.s32 @!p0 $0x88, s6;
	s7 =	simm.s32 @p2 $0x1082  }
0x22: {  	[simem:s7], [sflag:s8] =	dma.local @!p0 [hbm:s6], $0xF7A  }
0x23: {  	s9 =	sor.u32 $0xD0000000, s2;
	s6 =	simm.s32 $0x108;
	_ =	swait.ge @!p0 [sflag:s8], $0x0  }
0x24: {  	s3 =	sadd.s32 $0x88, s3;
	s6 =	simm.s32 @!p1 $0x1082;
	[sflag:s4] =	ssyncset.s32 $0xFFFFF086  }
0x25: {  	[simem:s6], [sflag:s4] =	dma.local [hbm:s3], $0xF7A  }
0x26: {  	[smem:$0x3F9B] =	sst s1;
	(tag) =	ssettag s2;
	_ =	strace s9  }
0x27: {  	s1 =	sld [smem:$0x3FAB]  }
0x28: {  	s2 =	sld [smem:$0x3FAC]  }
0x29: {  	s4 =	sld [smem:$0x3FAE]  }
0x2a: {  	p0 =	seq.s32 s5, $0x0;
	s5 =	sld [smem:$0x3FAF]  }
0x2b: {  	s6 =	sld [smem:$0x3FB0]  }
0x2c: {  	s7 =	sld [smem:$0x3FB1]  }
0x2d: {  	s3 =	simm.s32 $0x108;
	s8 =	sld [smem:$0x3FB2]  }
0x2e: {  	s3 =	simm.s32 @!p0 $0x1082;
	s9 =	sld [smem:$0x3FB3]  }
0x2f: {  	lr =	sadd.s32 s0, s3;
	s0 =	sld [smem:$0x3FAA]  }
0x30: {  	s3 =	sld [smem:$0x3FAD]  }
0x31: {  	[smem:$0x3FB6] =	sst s10  }
0x32: {  	s10 =	sld [smem:$0x3FB4];
	_ =	sdelay $0x3  }
0x33: {  	p0 =	seq.s32 s10, $0x1;
	s10 =	sld [smem:$0x3FB6];
	_ =	sdelay $0x3  }
0x34: {  	[smem:$0x3FB6] =	sst s10  }
0x35: {  	s10 =	sld [smem:$0x3FB5];
	_ =	sdelay $0x3  }
0x36: {  	p1 =	seq.s32 s10, $0x1;
	s10 =	sld [smem:$0x3FB6];
	_ =	sdelay $0x3  }
0x37: {  	[smem:$0x3FB6] =	sst s10  }
0x38: {  	s10 =	sld [smem:$0x3FB7]  }
0x39: {  	_ = 	snop;
	(pc) =	sbr.ind lr, $3  }
0x3a: {  	_ = 	snop  }
0x3b: {  	_ = 	snop  }
0x3c: {  	p2 =	seq.s32 s10, $0x1;
	s10 =	sld [smem:$0x3FB6]  }
0x3d: {  	_ =	shalt  }
0x3e: {  	_ =	shalt  }
0x3f: {  	_ =	shalt  }
0x40: {  	_ =	shalt  }
0x41: {  	_ =	shalt  }
0x42: {  	_ =	shalt  }
0x43: {  	_ =	shalt  }
0x44: {  	_ =	shalt  }
0x45: {  	_ =	shalt  }
0x46: {  	_ =	shalt  }
0x47: {  	_ =	shalt  }
0x48: {  	_ =	shalt  }
0x49: {  	_ =	shalt  }
0x4a: {  	_ =	shalt  }
0x4b: {  	_ =	shalt  }
0x4c: {  	_ =	shalt  }
0x4d: {  	_ =	shalt  }
0x4e: {  	_ =	shalt  }
0x4f: {  	_ =	shalt  }
0x50: {  	_ =	shalt  }
0x51: {  	_ =	shalt  }
0x52: {  	_ =	shalt  }
0x53: {  	_ =	shalt  }
0x54: {  	_ =	shalt  }
0x55: {  	_ =	shalt  }
0x56: {  	_ =	shalt  }
0x57: {  	_ =	shalt  }
0x58: {  	_ =	shalt  }
0x59: {  	_ =	shalt  }
0x5a: {  	_ =	shalt  }
0x5b: {  	_ =	shalt  }
0x5c: {  	_ =	shalt  }
0x5d: {  	_ =	shalt  }
0x5e: {  	_ =	shalt  }
0x5f: {  	_ =	shalt  }
0x60: {  	_ =	shalt  }
0x61: {  	_ =	shalt  }
0x62: {  	_ =	shalt  }
0x63: {  	_ =	shalt  }
0x64: {  	_ =	shalt  }
0x65: {  	_ =	shalt  }
0x66: {  	_ =	shalt  }
0x67: {  	_ =	shalt  }
0x68: {  	_ =	shalt  }
0x69: {  	_ =	shalt  }
0x6a: {  	_ =	shalt  }
0x6b: {  	_ =	shalt  }
0x6c: {  	_ =	shalt  }
0x6d: {  	_ =	shalt  }
0x6e: {  	_ =	shalt  }
0x6f: {  	_ =	shalt  }
0x70: {  	_ =	shalt  }
0x71: {  	_ =	shalt  }
0x72: {  	_ =	shalt  }
0x73: {  	_ =	shalt  }
0x74: {  	_ =	shalt  }
0x75: {  	_ =	shalt  }
0x76: {  	_ =	shalt  }
0x77: {  	_ =	shalt  }
0x78: {  	_ =	shalt  }
0x79: {  	_ =	shalt  }
0x7a: {  	_ =	shalt  }
0x7b: {  	_ =	shalt  }
0x7c: {  	_ =	shalt  }
0x7d: {  	_ =	shalt  }
0x7e: {  	_ =	shalt  }
0x7f: {  	_ =	shalt  }
0x80: {  	_ =	shalt  }
0x81: {  	_ =	shalt  }
0x82: {  	_ =	shalt  }
0x83: {  	_ =	shalt  }
0x84: {  	_ =	shalt  }
0x85: {  	_ =	shalt  }
0x86: {  	_ =	shalt  }
0x87: {  	_ =	shalt  }
.Lfunc_end0:
.L_simem_size_0:
called_computation_lowered:
.L_overlay_start_0:
0x88: {  	s2 =	sld [smem:$0x3FD9]  }
0x89: {  	s3 =	sld [smem:$0x3FFE];
	_ =	sdelay $0x1  }
0x8a: {  	s1 =	srdreg.scid  }
0x8b: {  	s0 =	sand.u32 $0x1, s1  }
0x8c: {  	s17 =	sshll.u32 s0, $0xA;
	s2 =	sadd.s32 s3, s2  }
0x8d: {  	s2 =	sadd.s32 s2, s17  }
0x8e: {  	[smem:$0x3FC2] =	sst s2  }
0x8f: {  	_ = 	snop  }
0x90: {  	s2 =	sld [smem:$0x3FD0];
	(tm) =	ssettm $0x1  }
0x91: {  	s18 =	sld [smem:$0x3FFB];
	_ =	sdelay $0x3  }
0x92: {  	_ =	strace s18  }
0x93: {  	s3 =	sld [smem:$0x3FFC];
	_ =	sdelay $0x3  }
0x94: {  	_ =	strace s3  }
0x95: {  	s3 =	sld [smem:$0x3FFD];
	_ =	sdelay $0x3  }
0x96: {  	_ =	strace s3  }
0x97: {  	_ =	strace $0x8FFFFFFF  }
0x98: {  	s19 =	sld [smem:$0x3FDB];
	_ =	sdelay $0x1  }
0x99: {  	s4 =	simm.s32 $_scs_section_size  }
0x9a: {  	s5 =	simm.s32 $_size__tile_overlayer_lowered;
	s6 =	simm.s32 $_tile_overlayer_lowered  }
0x9b: {  	s22 =	simm.s32 $0x1BFF;
	s21 =	sshll.u32 s6, $0x1;
	s3 =	sadd.s32 s4, s19  }
0x9c: {  	s7 =	simm.s32 $0x0;
	s20 =	sshll.u32 s5, $0x1;
	s5 =	sadd.s32 s21, s3  }
0x9d: {  	[timem:s7], [sflag:s22] =	dma.local [hbm:s5], s20  }
0x9e: {  	_ =	swait.ge [sflag:s22], s20  }
0x9f: {  	s4 =	ssub.s32 $0x0, s20;
	[sflag:s22] =	ssyncset.done $0x0  }
0xa0: {  	[sflag:s22] =	ssyncadd.s32 s4;
	_ =	sdelay $0x1  }
0xa1: {  	s23 =	simm.s32 $0x1B8B  }
0xa2: {  	_ =	swait.ge [sflag:s23], $0x1  }
0xa3: {  	[sflag:s23] =	ssyncset.done $0x0  }
0xa4: {  	s25 =	simm.s32 $0x1B8E;
	s24 =	sld [smem:$0x3FFE];
	[sflag:s23] =	ssyncadd.s32 $0xFFFFFFFF  }
0xa5: {  	s26 =	simm.s32 $execute0_lowered;
	[smem:$0x3FD2] =	sst s25  }
0xa6: {  	s5 =	sshll.u32 s26, $0x1;
	_ =	strace $0x80000046;
	[dreg:$0x1] =	wrdreg $0xFFFFFFFF  }
0xa7: {  	s28 =	simm.s32 $_size_execute0_lowered;
	s3 =	sadd.s32 s3, s5;
	[dreg:$0x0] =	wrdreg $0x0  }
0xa8: {  	s5 =	sshll.u32 s28, $0x1;
	[dreg:$0x2] =	wrdreg s3  }
0xa9: {  	[dreg:$0x3] =	wrdreg s5  }
0xaa: {  	[dreg:$0x4] =	wrdreg $0xC0  }
0xab: {  	_ =	task [dreg:s7], $0x5FFFF  }
0xac: {  	[dreg:$0x1] =	wrdreg $0xFFFFFFFF  }
0xad: {  	[dreg:$0x0] =	wrdreg $0x60  }
0xae: {  	[dreg:$0x2] =	wrdreg s24  }
0xaf: {  	[dreg:$0x3] =	wrdreg s2  }
0xb0: {  	[dreg:$0x4] =	wrdreg $0x79800  }
0xb1: {  	[dreg:$0x5] =	wrdreg $0x9  }
0xb2: {  	_ =	task.clear_ibuf [dreg:s7], $0x6FFFF;
	_ =	strace $0x90000046  }
0xb3: {  	s29 =	simm.s32 $0x9;
	_ =	strace $0x80000048  }
0xb4: {  	_ =	swait.ge [sflag:s29], $0x1  }
0xb5: {  	[sflag:s29] =	ssyncadd.s32 $0xFFFFFFFF  }
0xb6: {  	_ =	strace $0x90000048  }
0xb7: {  	_ =	sfence  }
0xb8: {  	s30 =	sld [smem:$0x0];
	_ =	sdelay $0x2  }
0xb9: {  	s31 =	sshll.u32 s1, $0xD;
	s1 =	sshrl.u32 s1, $0x2  }
0xba: {  	s3 =	sand.u32 $0x4000, s31;
	s1 =	sadd.s32 s1, s30  }
0xbb: {  	s0 =	sor.u32 s3, s0;
	s1 =	sshll.u32 s1, $0x11  }
0xbc: {  	s0 =	sor.u32 s1, s0  }
0xbd: {  	s0 =	sadd.s32 $0x8F2B, s0  }
0xbe: {  	[sflag:s0] =	ssyncadd.remote.s32 $0x1  }
0xbf: {  	_ =	sfence.sel $0xFFFF  }
0xc0: {  	[dreg:$0x0] =	wrdreg $0xFFFFFFFF;
	(pc) =	sbr.abs _section_cstart, $3  }
0xc1: {  	[dreg:$0x1] =	wrdreg $0xFFFFFFFF  }
0xc2: {  	_ =	task.clear_ibuf [dreg:s7], $0x2FFFF;
	_ =	strace $0x9FFFFFFF  }
0xc3: {  	(tm) =	ssettm $0x7FFFFFFF  }
tec
execute0_lowered:
.L_overlay_start_1:
0x0: {  	(tag) =	ssettag $0x1  }
0x1: {  	s0 =	rddreg [dreg:$0x0]  }
0x2: {  	s1 =	srdreg.scid;
	s21 =	rddreg [dreg:$0x1]  }
0x3: {  	s8 =	stileid.u32;
	s5 =	rddreg [dreg:$0x2];
	s23 =	simm.s32 $0x1  }
0x4: {  	s24 =	simm.s32 $0x2780;
	s25 =	simm.s32 $0x2;
	s6 =	smul.u32 $0x9C40, s8  }
0x5: {  	s1 =	sand.u32 $0x1, s1;
	s2 =	sshll.u32 s8, $0x1;
	s17 =	smul.u32 $0x270, s8  }
0x6: {  	s28 =	simm.s32 $0x7700;
	s2 =	sor.u32 s1, s2;
	s31 =	smul.u32 $0x2710, s1  }
0x7: {  	s29 =	simm.s32 $0x0;
	s4 =	ssub.s32 $0x2, s1;
	s3 =	smul.u32 $0x2710, s2  }
0x8: {  	s2 =	simm.s32 $0x0;
	s7 =	sshrl.u32 s4, $0x1;
	s6 =	sshrl.u32 s6, $0x2  }
0x9: {  	[smem:$0x7FF] =	sst s2;
	s22 =	ssub.s32 s4, s7;
	s3 =	sshrl.u32 s3, $0x3  }
0xa: {  	_ =	strace $0x80000047;
	s22 =	smax.u32 s22, $0x1;
	s0 =	sadd.s32 s0, s3  }
0xb: {  	s3 =	sadd.s32 s17, s5;
	s5 =	sadd.s32 s6, s5;
	s4 =	sadd.s32 $0xB840, s0  }
0xc: {  	s6 =	sadd.s32 $0x2710, s3;
	s7 =	sadd.s32 $0x4E20, s3;
	s8 =	sadd.s32 $0x7530, s3  }
0xd: {  	s9 =	sadd.s32 $0x9C40, s3;
	s10 =	sadd.s32 $0xC350, s3;
	s11 =	sadd.s32 $0xEA60, s3  }
0xe: {  	s12 =	sadd.s32 $0x11170, s3;
	s13 =	sadd.s32 $0x13880, s3;
	s14 =	sadd.s32 $0x15F90, s3  }
0xf: {  	s15 =	sadd.s32 $0x186A0, s3;
	s16 =	sadd.s32 $0x1ADB0, s3;
	s0 =	sadd.s32 s17, s31  }
0x10: {  	s17 =	sadd.s32 $0x1D4C0, s3;
	s18 =	sadd.s32 $0x1FBD0, s3;
	s0 =	sshrl.u32 s0, $0x3  }
0x11: {  	v0 =	vimm.f32 $0.0e+00;
	v1 =	vimm.f32 $1.000000000e+00;
	s19 =	sadd.s32 $0x222E0, s3;
	s20 =	sadd.s32 $0x249F0, s3;
	s21 =	sadd.s32 s21, s0  }
.LBB2_1:
0x12: {  	[tilespmem:s2], [sflag:$0x1] =	stream.linear.gather [hbm4b:s4+s2], $0x2710, $0x38;
	[tilespmem:$0xA090] =	vst v63  }
0x13: {  	s1 =	simm.s32 $0x140;
	s0 =	simm.s32 $0x0  }
.LBB2_2:
0x14: {  	p0 =	sne.s32 s1, $0x9B00;
	[tilespmem:s0+$0x27C0] =	vst v0;
	s30 =	smov.u32 s1;
	s1 =	sadd.s32 $0x140, s1  }
.Ltmp0:
0x15: {  	[tilespmem:s0+$0x27B0] =	vst v0;
	(pc) =	sbr.rel @p0 .LBB2_2-.Ltmp0, $4  }
0x16: {  	[tilespmem:s0+$0x27A0] =	vst v0  }
0x17: {  	[tilespmem:s0+$0x2780] =	vst v0  }
0x18: {  	[tilespmem:s0+$0x2790] =	vst v0  }
0x19: {  	s0 =	sshra.s32 s30, $0x2  }
0x1a: {  	[tilespmem:s0+$0x27C0] =	vst v0  }
0x1b: {  	[tilespmem:s0+$0x27B0] =	vst v0  }
0x1c: {  	[tilespmem:s0+$0x27A0] =	vst v0  }
0x1d: {  	[tilespmem:s0+$0x2780] =	vst v0  }
0x1e: {  	[tilespmem:s0+$0x2790] =	vst v0  }
0x1f: {  	_ =	swait.ge [sflag:s23], $0x2710  }
0x20: {  	[sflag:s23] =	ssyncset.done $0x0  }
0x21: {  	s0 =	simm.s32 $0x0;
	[sflag:s23] =	ssyncadd.s32 $0xFFFFD8F0  }
.LBB2_4:
0x22: {  	s1 =	sshra.s32 s0, $0x2  }
0x23: {  	v2 =	vld [tilespmem:s1+$0x0];
	_ =	sdelay $0x7  }
0x24: {  	[tilespmem:v2+s24+$0x0] =	vst.idx.add.f32.msk $0xffff, v1  }
0x25: {  	v2 =	vld [tilespmem:s1+$0x10];
	_ =	sdelay $0x7  }
0x26: {  	[tilespmem:v2+s24+$0x0] =	vst.idx.add.f32.msk $0xffff, v1  }
0x27: {  	v2 =	vld [tilespmem:s1+$0x20];
	_ =	sdelay $0x7  }
0x28: {  	[tilespmem:v2+s24+$0x0] =	vst.idx.add.f32.msk $0xffff, v1  }
0x29: {  	v2 =	vld [tilespmem:s1+$0x30];
	_ =	sdelay $0x7  }
0x2a: {  	[tilespmem:v2+s24+$0x0] =	vst.idx.add.f32.msk $0xffff, v1  }
0x2b: {  	v2 =	vld [tilespmem:s1+$0x40];
	_ =	sdelay $0x2  }
0x2c: {  	p0 =	sne.s32 s0, $0x9B00  }
.Ltmp1:
0x2d: {  	_ = 	snop;
	(pc) =	sbr.rel @p0 .LBB2_4-.Ltmp1, $2  }
0x2e: {  	_ =	sdelay $0x2  }
0x2f: {  	s0 =	sadd.s32 $0x140, s0;
	[tilespmem:v2+s24+$0x0] =	vst.idx.add.f32.msk $0xffff, v1  }
0x30: {  	[spmem:s5] =	stream.linear.scatter [tilespmem:s24], [sflag:$0x2], $0x2710, $0x38;
	[tilespmem:$0xA090] =	vst v63  }
0x31: {  	_ =	swait.ge [sflag:s25], $0x2710  }
0x32: {  	[sflag:s25] =	ssyncset.done $0x0  }
0x33: {  	[sflag:s25] =	ssyncadd.s32 $0xFFFFD8F0  }
0x34: {  	s0 =	simm.s32 $0x4F00;
	[bflag:$0x0] =	sbarrier.arrive $0xFFFF  }
0x35: {  	[tilespmem:s0], [sflag:$0x2] =	stream.linear.gather [spmem:s3], $0x280, $0x38;
	[tilespmem:$0xA090] =	vst v63  }
0x36: {  	_ =	swait.ge [sflag:s25], $0x280  }
0x37: {  	[sflag:s25] =	ssyncset.done $0x0  }
0x38: {  	s1 =	simm.s32 $0x5180;
	[sflag:s25] =	ssyncadd.s32 $0xFFFFFD80  }
0x39: {  	[tilespmem:s1], [sflag:$0x2] =	stream.linear.gather [spmem:s6], $0x280, $0x38;
	[tilespmem:$0xA090] =	vst v63  }
0x3a: {  	_ =	swait.ge [sflag:s25], $0x280  }
0x3b: {  	[sflag:s25] =	ssyncset.done $0x0  }
0x3c: {  	s26 =	simm.s32 $0x5400;
	[sflag:s25] =	ssyncadd.s32 $0xFFFFFD80  }
0x3d: {  	[tilespmem:s26], [sflag:$0x2] =	stream.linear.gather [spmem:s7], $0x280, $0x38;
	[tilespmem:$0xA090] =	vst v63  }
0x3e: {  	_ =	swait.ge [sflag:s25], $0x280  }
0x3f: {  	[sflag:s25] =	ssyncset.done $0x0  }
0x40: {  	s26 =	simm.s32 $0x5680;
	[sflag:s25] =	ssyncadd.s32 $0xFFFFFD80  }
0x41: {  	[tilespmem:s26], [sflag:$0x2] =	stream.linear.gather [spmem:s8], $0x280, $0x38;
	[tilespmem:$0xA090] =	vst v63  }
0x42: {  	_ =	swait.ge [sflag:s25], $0x280  }
0x43: {  	[sflag:s25] =	ssyncset.done $0x0  }
0x44: {  	s26 =	simm.s32 $0x5900;
	[sflag:s25] =	ssyncadd.s32 $0xFFFFFD80  }
0x45: {  	[tilespmem:s26], [sflag:$0x2] =	stream.linear.gather [spmem:s9], $0x280, $0x38;
	[tilespmem:$0xA090] =	vst v63  }
0x46: {  	_ =	swait.ge [sflag:s25], $0x280  }
0x47: {  	[sflag:s25] =	ssyncset.done $0x0  }
0x48: {  	s26 =	simm.s32 $0x5B80;
	[sflag:s25] =	ssyncadd.s32 $0xFFFFFD80  }
0x49: {  	[tilespmem:s26], [sflag:$0x2] =	stream.linear.gather [spmem:s10], $0x280, $0x38;
	[tilespmem:$0xA090] =	vst v63  }
0x4a: {  	_ =	swait.ge [sflag:s25], $0x280  }
0x4b: {  	[sflag:s25] =	ssyncset.done $0x0  }
0x4c: {  	s26 =	simm.s32 $0x5E00;
	[sflag:s25] =	ssyncadd.s32 $0xFFFFFD80  }
0x4d: {  	[tilespmem:s26], [sflag:$0x2] =	stream.linear.gather [spmem:s11], $0x280, $0x38;
	[tilespmem:$0xA090] =	vst v63  }
0x4e: {  	_ =	swait.ge [sflag:s25], $0x280  }
0x4f: {  	[sflag:s25] =	ssyncset.done $0x0  }
0x50: {  	s26 =	simm.s32 $0x6080;
	[sflag:s25] =	ssyncadd.s32 $0xFFFFFD80  }
0x51: {  	[tilespmem:s26], [sflag:$0x2] =	stream.linear.gather [spmem:s12], $0x280, $0x38;
	[tilespmem:$0xA090] =	vst v63  }
0x52: {  	_ =	swait.ge [sflag:s25], $0x280  }
0x53: {  	[sflag:s25] =	ssyncset.done $0x0  }
0x54: {  	s26 =	simm.s32 $0x6300;
	[sflag:s25] =	ssyncadd.s32 $0xFFFFFD80  }
0x55: {  	[tilespmem:s26], [sflag:$0x2] =	stream.linear.gather [spmem:s13], $0x280, $0x38;
	[tilespmem:$0xA090] =	vst v63  }
0x56: {  	_ =	swait.ge [sflag:s25], $0x280  }
0x57: {  	[sflag:s25] =	ssyncset.done $0x0  }
0x58: {  	s26 =	simm.s32 $0x6580;
	[sflag:s25] =	ssyncadd.s32 $0xFFFFFD80  }
0x59: {  	[tilespmem:s26], [sflag:$0x2] =	stream.linear.gather [spmem:s14], $0x280, $0x38;
	[tilespmem:$0xA090] =	vst v63  }
0x5a: {  	_ =	swait.ge [sflag:s25], $0x280  }
0x5b: {  	[sflag:s25] =	ssyncset.done $0x0  }
0x5c: {  	s26 =	simm.s32 $0x6800;
	[sflag:s25] =	ssyncadd.s32 $0xFFFFFD80  }
0x5d: {  	[tilespmem:s26], [sflag:$0x2] =	stream.linear.gather [spmem:s15], $0x280, $0x38;
	[tilespmem:$0xA090] =	vst v63  }
0x5e: {  	_ =	swait.ge [sflag:s25], $0x280  }
0x5f: {  	[sflag:s25] =	ssyncset.done $0x0  }
0x60: {  	s26 =	simm.s32 $0x6A80;
	[sflag:s25] =	ssyncadd.s32 $0xFFFFFD80  }
0x61: {  	[tilespmem:s26], [sflag:$0x2] =	stream.linear.gather [spmem:s16], $0x280, $0x38;
	[tilespmem:$0xA090] =	vst v63  }
0x62: {  	_ =	swait.ge [sflag:s25], $0x280  }
0x63: {  	[sflag:s25] =	ssyncset.done $0x0  }
0x64: {  	s26 =	simm.s32 $0x6D00;
	[sflag:s25] =	ssyncadd.s32 $0xFFFFFD80  }
0x65: {  	[tilespmem:s26], [sflag:$0x2] =	stream.linear.gather [spmem:s17], $0x280, $0x38;
	[tilespmem:$0xA090] =	vst v63  }
0x66: {  	_ =	swait.ge [sflag:s25], $0x280  }
0x67: {  	[sflag:s25] =	ssyncset.done $0x0  }
0x68: {  	s26 =	simm.s32 $0x6F80;
	[sflag:s25] =	ssyncadd.s32 $0xFFFFFD80  }
0x69: {  	[tilespmem:s26], [sflag:$0x2] =	stream.linear.gather [spmem:s18], $0x280, $0x38;
	[tilespmem:$0xA090] =	vst v63  }
0x6a: {  	_ =	swait.ge [sflag:s25], $0x280  }
0x6b: {  	[sflag:s25] =	ssyncset.done $0x0  }
0x6c: {  	s26 =	simm.s32 $0x7200;
	[sflag:s25] =	ssyncadd.s32 $0xFFFFFD80  }
0x6d: {  	[tilespmem:s26], [sflag:$0x2] =	stream.linear.gather [spmem:s19], $0x280, $0x38;
	[tilespmem:$0xA090] =	vst v63  }
0x6e: {  	_ =	swait.ge [sflag:s25], $0x280  }
0x6f: {  	[sflag:s25] =	ssyncset.done $0x0  }
0x70: {  	s26 =	simm.s32 $0x7480;
	[sflag:s25] =	ssyncadd.s32 $0xFFFFFD80  }
0x71: {  	[tilespmem:s26], [sflag:$0x2] =	stream.linear.gather [spmem:s20], $0x280, $0x38;
	[tilespmem:$0xA090] =	vst v63  }
0x72: {  	_ =	swait.ge [sflag:s25], $0x280  }
0x73: {  	[sflag:s25] =	ssyncset.done $0x0  }
0x74: {  	[sflag:s25] =	ssyncadd.s32 $0xFFFFFD80  }
0x75: {  	s26 =	simm.s32 $0x0;
	v2 =	vld [tilespmem:s0+$0x0]  }
0x76: {  	s26 =	sand.u32 $0x3F0, s26  }
0x77: {  	v3 =	vld [tilespmem:s26+$0x5180];
	_ =	sdelay $0x1  }
0x78: {  	v4 =	vld [tilespmem:s26+$0x5400]  }
0x79: {  	v2 =	vadd.f32 $0.0e+00, v2  }
0x7a: {  	v5 =	vld [tilespmem:s26+$0x5680]  }
0x7b: {  	v2 =	vadd.f32 v3, v2  }
0x7c: {  	v3 =	vld [tilespmem:s26+$0x5900]  }
0x7d: {  	v2 =	vadd.f32 v4, v2  }
0x7e: {  	v56 =	vld [tilespmem:s26+$0x5B80]  }
0x7f: {  	v2 =	vadd.f32 v5, v2  }
0x80: {  	v57 =	vld [tilespmem:s26+$0x5E00]  }
0x81: {  	v2 =	vadd.f32 v3, v2  }
0x82: {  	v3 =	vld [tilespmem:s26+$0x6080]  }
0x83: {  	v2 =	vadd.f32 v56, v2  }
0x84: {  	v58 =	vld [tilespmem:s26+$0x6300]  }
0x85: {  	v2 =	vadd.f32 v57, v2  }
0x86: {  	v59 =	vld [tilespmem:s26+$0x6580]  }
0x87: {  	v2 =	vadd.f32 v3, v2  }
0x88: {  	v3 =	vld [tilespmem:s26+$0x6800]  }
0x89: {  	v2 =	vadd.f32 v58, v2  }
0x8a: {  	v60 =	vld [tilespmem:s26+$0x6A80]  }
0x8b: {  	v2 =	vadd.f32 v59, v2  }
0x8c: {  	v61 =	vld [tilespmem:s26+$0x6D00]  }
0x8d: {  	v2 =	vadd.f32 v3, v2  }
0x8e: {  	v3 =	vld [tilespmem:s26+$0x6F80]  }
0x8f: {  	v2 =	vadd.f32 v60, v2  }
0x90: {  	v62 =	vld [tilespmem:s26+$0x7200]  }
0x91: {  	v2 =	vadd.f32 v61, v2  }
0x92: {  	v63 =	vld [tilespmem:s26+$0x7480]  }
0x93: {  	v2 =	vadd.f32 v3, v2;
	_ =	sdelay $0x1  }
0x94: {  	v2 =	vadd.f32 v62, v2;
	_ =	sdelay $0x1  }
0x95: {  	v2 =	vadd.f32 v63, v2  }
0x96: {  	s30 =	simm.s32 $0x7700  }
0x97: {  	s31 =	simm.s32 $0x4F10;
	[tilespmem:s30+$0x0] =	vst v2  }
0x98: {  	s1 =	simm.s32 $0x10;
	s0 =	simm.s32 $0x20;
	v2 =	vld [tilespmem:s31+$0x0]  }
.LBB2_6:
0x99: {  	p0 =	sne.s32 s0, $0x270;
	s26 =	sand.u32 $0x3F0, s1;
	s1 =	smov.u32 s0  }
0x9a: {  	v3 =	vld [tilespmem:s26+$0x5180];
	_ =	sdelay $0x1  }
0x9b: {  	v4 =	vld [tilespmem:s26+$0x5400]  }
0x9c: {  	v2 =	vadd.f32 $0.0e+00, v2  }
0x9d: {  	v5 =	vld [tilespmem:s26+$0x5680]  }
0x9e: {  	v2 =	vadd.f32 v3, v2  }
0x9f: {  	v3 =	vld [tilespmem:s26+$0x5900]  }
0xa0: {  	v2 =	vadd.f32 v4, v2  }
0xa1: {  	v4 =	vld [tilespmem:s26+$0x5B80]  }
0xa2: {  	v2 =	vadd.f32 v5, v2  }
0xa3: {  	v5 =	vld [tilespmem:s26+$0x5E00]  }
0xa4: {  	v2 =	vadd.f32 v3, v2  }
0xa5: {  	v3 =	vld [tilespmem:s26+$0x6080]  }
0xa6: {  	v2 =	vadd.f32 v4, v2  }
0xa7: {  	v4 =	vld [tilespmem:s26+$0x6300]  }
0xa8: {  	v2 =	vadd.f32 v5, v2  }
0xa9: {  	v5 =	vld [tilespmem:s26+$0x6580]  }
0xaa: {  	v2 =	vadd.f32 v3, v2  }
0xab: {  	v3 =	vld [tilespmem:s26+$0x6800]  }
0xac: {  	v2 =	vadd.f32 v4, v2  }
0xad: {  	v4 =	vld [tilespmem:s26+$0x6A80]  }
0xae: {  	v2 =	vadd.f32 v5, v2  }
0xaf: {  	v5 =	vld [tilespmem:s26+$0x6D00]  }
0xb0: {  	v2 =	vadd.f32 v3, v2  }
0xb1: {  	v3 =	vld [tilespmem:s26+$0x6F80]  }
0xb2: {  	v2 =	vadd.f32 v4, v2  }
0xb3: {  	v4 =	vld [tilespmem:s26+$0x7200]  }
0xb4: {  	v2 =	vadd.f32 v5, v2  }
0xb5: {  	v5 =	vld [tilespmem:s26+$0x7480]  }
0xb6: {  	v2 =	vadd.f32 v3, v2;
	_ =	sdelay $0x1  }
0xb7: {  	v2 =	vadd.f32 v4, v2  }
.Ltmp2:
0xb8: {  	(pc) =	sbr.rel @p0 .LBB2_6-.Ltmp2, $4  }
0xb9: {  	v2 =	vadd.f32 v5, v2  }
0xba: {  	s30 =	sadd.s32 $0x10, s30  }
0xbb: {  	s31 =	sadd.s32 $0x10, s31;
	[tilespmem:s30+$0x0] =	vst v2  }
0xbc: {  	s0 =	sadd.s32 $0x10, s0;
	v2 =	vld [tilespmem:s31+$0x0]  }
0xbd: {  	s0 =	sand.u32 $0x3F0, s1  }
0xbe: {  	v3 =	vld [tilespmem:s0+$0x5180];
	_ =	sdelay $0x1  }
0xbf: {  	v4 =	vld [tilespmem:s0+$0x5400]  }
0xc0: {  	v2 =	vadd.f32 $0.0e+00, v2  }
0xc1: {  	v5 =	vld [tilespmem:s0+$0x5680]  }
0xc2: {  	v2 =	vadd.f32 v3, v2  }
0xc3: {  	v3 =	vld [tilespmem:s0+$0x5900]  }
0xc4: {  	v2 =	vadd.f32 v4, v2  }
0xc5: {  	v56 =	vld [tilespmem:s0+$0x5B80]  }
0xc6: {  	v2 =	vadd.f32 v5, v2  }
0xc7: {  	v57 =	vld [tilespmem:s0+$0x5E00]  }
0xc8: {  	v2 =	vadd.f32 v3, v2  }
0xc9: {  	v3 =	vld [tilespmem:s0+$0x6080]  }
0xca: {  	v2 =	vadd.f32 v56, v2  }
0xcb: {  	v58 =	vld [tilespmem:s0+$0x6300]  }
0xcc: {  	v2 =	vadd.f32 v57, v2  }
0xcd: {  	v59 =	vld [tilespmem:s0+$0x6580]  }
0xce: {  	v2 =	vadd.f32 v3, v2  }
0xcf: {  	v3 =	vld [tilespmem:s0+$0x6800]  }
0xd0: {  	v2 =	vadd.f32 v58, v2  }
0xd1: {  	v60 =	vld [tilespmem:s0+$0x6A80]  }
0xd2: {  	v2 =	vadd.f32 v59, v2  }
0xd3: {  	v61 =	vld [tilespmem:s0+$0x6D00]  }
0xd4: {  	v2 =	vadd.f32 v3, v2  }
0xd5: {  	v3 =	vld [tilespmem:s0+$0x6F80]  }
0xd6: {  	v2 =	vadd.f32 v60, v2  }
0xd7: {  	v62 =	vld [tilespmem:s0+$0x7200]  }
0xd8: {  	v2 =	vadd.f32 v61, v2  }
0xd9: {  	v63 =	vld [tilespmem:s0+$0x7480]  }
0xda: {  	v2 =	vadd.f32 v3, v2;
	_ =	sdelay $0x1  }
0xdb: {  	v2 =	vadd.f32 v62, v2;
	_ =	sdelay $0x1  }
0xdc: {  	s29 =	sadd.s32 $0x1, s29;
	v2 =	vadd.f32 v63, v2  }
0xdd: {  	s31 =	sadd.s32 $0x10, s30;
	p0 =	sne.s32 s29, s22  }
.Ltmp3:
0xde: {  	[tilespmem:s31+$0x0] =	vst v2;
	(pc) =	sbr.rel @p0 .LBB2_1-.Ltmp3, $4  }
0xdf: {  	[hbm4b:s21+s2] =	stream.linear.scatter [tilespmem:s28], [sflag:$0x2], $0x280, $0x38;
	[tilespmem:$0xA090] =	vst v63  }
0xe0: {  	_ =	swait.ge [sflag:s25], $0x280  }
0xe1: {  	[sflag:s25] =	ssyncset.done $0x0  }
0xe2: {  	[sflag:s25] =	ssyncadd.s32 $0xFFFFFD80  }
0xe3: {  	_ =	sfence.sel $0x180000  }
0xe4: {  	[bflag:$0x0] =	sbarrier.arrive $0xFFFF  }
0xe5: {  	_ =	strace $0x90000047  }
0xe6: {  	s0 =	stileid.u32;
	[bflag:$0x2] =	sbarrier.arrive $0xFFFF  }
0xe7: {  	p0 =	sne.s32 s0, $0x0;
	s0 =	rddreg [dreg:$0x3]  }
0xe8: {  	s0 =	sadd.s32 @!p0 $0x100000, s0  }
0xe9: {  	[sflag:s0] =	ssyncadd.tile.s32 @!p0 $0x1;
	_ =	shalt  }
.Lfunc_end2:
_tile_overlayer_lowered:
.L_overlay_start_2:
0xea: {  	(tag) =	ssettag $0x2  }
0xeb: {  	s0 =	rddreg [dreg:$0x0];
	s2 =	stileid.u32  }
0xec: {  	s1 =	rddreg [dreg:$0x1];
	p0 =	sne.s32 s2, $0x0  }
0xed: {  	s3 =	rddreg [dreg:$0x2];
	[bflag:$0x3] =	sbarrier.arrive $0xFFFF;
	s2 =	simm.s32 @!p0 $0x1C02  }
0xee: {  	[timem:s3], [sflag:s2] =	dma.local @!p0 [hbm:s0], s1  }
0xef: {  	s0 =	simm.s32 @!p0 $0x2  }
0xf0: {  	_ =	swait.ge @!p0 [sflag:s0], s1  }
0xf1: {  	s1 =	ssub.s32 @!p0 $0x0, s1;
	[sflag:s0] =	ssyncset.done @!p0 $0x0  }
0xf2: {  	[sflag:s0] =	ssyncadd.s32 @!p0 s1  }
0xf3: {  	[bflag:$0x3] =	sbarrier.arrive $0xFFFF  }
0xf4: {  	_ =	shalt  }

// kernel: kernel.9.cloned.1.call-start
scs
__scs_entry_jumppad:
0x0: {  	(pc) =	sbr.rel $0x88, $3  }
0x1: {  	(tag) =	ssettag $0x0;
	lr =	simm.s32 $0x1  }
0x2: {  	[smem:$0x3F9B] =	sst lr;
	_ =	strace $0xD0000000  }
0x3: {  	_ = 	snop  }
0x4: {  	_ = 	snop  }
0x5: {  	_ = 	snop  }
0x6: {  	_ = 	snop  }
0x7: {  	_ = 	snop  }
__scs_overlays_trampoline_lowered:
0x8: {  	[smem:$0x3FAA] =	sst s0  }
0x9: {  	[smem:$0x3FAB] =	sst s1  }
0xa: {  	[smem:$0x3FAC] =	sst s2  }
0xb: {  	[smem:$0x3FAD] =	sst s3  }
0xc: {  	[smem:$0x3FAE] =	sst s4  }
0xd: {  	[smem:$0x3FAF] =	sst s5  }
0xe: {  	[smem:$0x3FB0] =	sst s6  }
0xf: {  	[smem:$0x3FB1] =	sst s7  }
0x10: {  	[smem:$0x3FB2] =	sst s8  }
0x11: {  	[smem:$0x3FB3] =	sst s9;
	s0 =	simm.s32 @!p0 $0x0  }
0x12: {  	s1 =	sld [smem:$0x3F99];
	s0 =	simm.s32 @p0 $0x1  }
0x13: {  	[smem:$0x3FB4] =	sst s0;
	s0 =	simm.s32 @!p1 $0x0  }
0x14: {  	s2 =	sld [smem:$0x3F98];
	s0 =	simm.s32 @p1 $0x1  }
0x15: {  	[smem:$0x3FB5] =	sst s0;
	s0 =	simm.s32 @!p2 $0x0  }
0x16: {  	s3 =	sld [smem:$0x3FDB];
	s0 =	simm.s32 @p2 $0x1  }
0x17: {  	s4 =	simm.s32 $0x1BF5;
	[smem:$0x3FB7] =	sst s0  }
0x18: {  	s0 =	sld [smem:$0x3F9A];
	_ =	swait.ge [sflag:s4], $0x0  }
0x19: {  	s7 =	sld [smem:$0x3F9B]  }
0x1a: {  	s8 =	sadd.s32 $0xFFFFE003, lr  }
0x1b: {  	s9 =	sadd.s32 $0xFFFFFEF7, lr;
	s5 =	simm.s32 $0xFFFFFFFF;
	p2 =	slt.u32 s8, $0xFFFFF086  }
0x1c: {  	p1 =	slt.u32 s9, $0xF7A;
	s5 =	simm.s32 @!p2 $0x0  }
0x1d: {  	s5 =	simm.s32 @p1 $0x1;
	p0 =	seq.s32 s7, s2  }
0x1e: {  	s7 =	smul.u32 @!p0 $0xF7A, s2;
	p2 =	seq.s32 @!p0 s5, $0x0  }
0x1f: {  	s9 =	smul.u32 $0xF7A, s1;
	s8 =	simm.s32 @!p0 $0x1BF5;
	p2 =	por !p2, p0  }
0x20: {  	[sflag:s8] =	ssyncset.s32 @!p0 $0xFFFFF086;
	s6 =	sadd.s32 @!p0 s3, s7;
	s7 =	simm.s32 @!p0 $0x108  }
0x21: {  	s3 =	sadd.s32 s3, s9;
	s6 =	sadd.s32 @!p0 $0x88, s6;
	s7 =	simm.s32 @p2 $0x1082  }
0x22: {  	[simem:s7], [sflag:s8] =	dma.local @!p0 [hbm:s6], $0xF7A  }
0x23: {  	s9 =	sor.u32 $0xD0000000, s2;
	s6 =	simm.s32 $0x108;
	_ =	swait.ge @!p0 [sflag:s8], $0x0  }
0x24: {  	s3 =	sadd.s32 $0x88, s3;
	s6 =	simm.s32 @!p1 $0x1082;
	[sflag:s4] =	ssyncset.s32 $0xFFFFF086  }
0x25: {  	[simem:s6], [sflag:s4] =	dma.local [hbm:s3], $0xF7A  }
0x26: {  	[smem:$0x3F9B] =	sst s1;
	(tag) =	ssettag s2;
	_ =	strace s9  }
0x27: {  	s1 =	sld [smem:$0x3FAB]  }
0x28: {  	s2 =	sld [smem:$0x3FAC]  }
0x29: {  	s4 =	sld [smem:$0x3FAE]  }
0x2a: {  	p0 =	seq.s32 s5, $0x0;
	s5 =	sld [smem:$0x3FAF]  }
0x2b: {  	s6 =	sld [smem:$0x3FB0]  }
0x2c: {  	s7 =	sld [smem:$0x3FB1]  }
0x2d: {  	s3 =	simm.s32 $0x108;
	s8 =	sld [smem:$0x3FB2]  }
0x2e: {  	s3 =	simm.s32 @!p0 $0x1082;
	s9 =	sld [smem:$0x3FB3]  }
0x2f: {  	lr =	sadd.s32 s0, s3;
	s0 =	sld [smem:$0x3FAA]  }
0x30: {  	s3 =	sld [smem:$0x3FAD]  }
0x31: {  	[smem:$0x3FB6] =	sst s10  }
0x32: {  	s10 =	sld [smem:$0x3FB4];
	_ =	sdelay $0x3  }
0x33: {  	p0 =	seq.s32 s10, $0x1;
	s10 =	sld [smem:$0x3FB6];
	_ =	sdelay $0x3  }
0x34: {  	[smem:$0x3FB6] =	sst s10  }
0x35: {  	s10 =	sld [smem:$0x3FB5];
	_ =	sdelay $0x3  }
0x36: {  	p1 =	seq.s32 s10, $0x1;
	s10 =	sld [smem:$0x3FB6];
	_ =	sdelay $0x3  }
0x37: {  	[smem:$0x3FB6] =	sst s10  }
0x38: {  	s10 =	sld [smem:$0x3FB7]  }
0x39: {  	_ = 	snop;
	(pc) =	sbr.ind lr, $3  }
0x3a: {  	_ = 	snop  }
0x3b: {  	_ = 	snop  }
0x3c: {  	p2 =	seq.s32 s10, $0x1;
	s10 =	sld [smem:$0x3FB6]  }
0x3d: {  	_ =	shalt  }
0x3e: {  	_ =	shalt  }
0x3f: {  	_ =	shalt  }
0x40: {  	_ =	shalt  }
0x41: {  	_ =	shalt  }
0x42: {  	_ =	shalt  }
0x43: {  	_ =	shalt  }
0x44: {  	_ =	shalt  }
0x45: {  	_ =	shalt  }
0x46: {  	_ =	shalt  }
0x47: {  	_ =	shalt  }
0x48: {  	_ =	shalt  }
0x49: {  	_ =	shalt  }
0x4a: {  	_ =	shalt  }
0x4b: {  	_ =	shalt  }
0x4c: {  	_ =	shalt  }
0x4d: {  	_ =	shalt  }
0x4e: {  	_ =	shalt  }
0x4f: {  	_ =	shalt  }
0x50: {  	_ =	shalt  }
0x51: {  	_ =	shalt  }
0x52: {  	_ =	shalt  }
0x53: {  	_ =	shalt  }
0x54: {  	_ =	shalt  }
0x55: {  	_ =	shalt  }
0x56: {  	_ =	shalt  }
0x57: {  	_ =	shalt  }
0x58: {  	_ =	shalt  }
0x59: {  	_ =	shalt  }
0x5a: {  	_ =	shalt  }
0x5b: {  	_ =	shalt  }
0x5c: {  	_ =	shalt  }
0x5d: {  	_ =	shalt  }
0x5e: {  	_ =	shalt  }
0x5f: {  	_ =	shalt  }
0x60: {  	_ =	shalt  }
0x61: {  	_ =	shalt  }
0x62: {  	_ =	shalt  }
0x63: {  	_ =	shalt  }
0x64: {  	_ =	shalt  }
0x65: {  	_ =	shalt  }
0x66: {  	_ =	shalt  }
0x67: {  	_ =	shalt  }
0x68: {  	_ =	shalt  }
0x69: {  	_ =	shalt  }
0x6a: {  	_ =	shalt  }
0x6b: {  	_ =	shalt  }
0x6c: {  	_ =	shalt  }
0x6d: {  	_ =	shalt  }
0x6e: {  	_ =	shalt  }
0x6f: {  	_ =	shalt  }
0x70: {  	_ =	shalt  }
0x71: {  	_ =	shalt  }
0x72: {  	_ =	shalt  }
0x73: {  	_ =	shalt  }
0x74: {  	_ =	shalt  }
0x75: {  	_ =	shalt  }
0x76: {  	_ =	shalt  }
0x77: {  	_ =	shalt  }
0x78: {  	_ =	shalt  }
0x79: {  	_ =	shalt  }
0x7a: {  	_ =	shalt  }
0x7b: {  	_ =	shalt  }
0x7c: {  	_ =	shalt  }
0x7d: {  	_ =	shalt  }
0x7e: {  	_ =	shalt  }
0x7f: {  	_ =	shalt  }
0x80: {  	_ =	shalt  }
0x81: {  	_ =	shalt  }
0x82: {  	_ =	shalt  }
0x83: {  	_ =	shalt  }
0x84: {  	_ =	shalt  }
0x85: {  	_ =	shalt  }
0x86: {  	_ =	shalt  }
0x87: {  	_ =	shalt  }
.Lfunc_end0:
.L_simem_size_0:
called_computation.1_lowered:
.L_overlay_start_0:
0x88: {  	s2 =	sld [smem:$0x3FD9]  }
0x89: {  	s3 =	sld [smem:$0x3FFE];
	_ =	sdelay $0x1  }
0x8a: {  	s1 =	srdreg.scid  }
0x8b: {  	s0 =	sand.u32 $0x1, s1  }
0x8c: {  	s17 =	sshll.u32 s0, $0xA;
	s2 =	sadd.s32 s3, s2  }
0x8d: {  	s2 =	sadd.s32 s2, s17  }
0x8e: {  	[smem:$0x3FC2] =	sst s2  }
0x8f: {  	_ = 	snop  }
0x90: {  	s2 =	sld [smem:$0x3FD0];
	(tm) =	ssettm $0x1  }
0x91: {  	s18 =	sld [smem:$0x3FFB];
	_ =	sdelay $0x3  }
0x92: {  	_ =	strace s18  }
0x93: {  	s3 =	sld [smem:$0x3FFC];
	_ =	sdelay $0x3  }
0x94: {  	_ =	strace s3  }
0x95: {  	s3 =	sld [smem:$0x3FFD];
	_ =	sdelay $0x3  }
0x96: {  	_ =	strace s3  }
0x97: {  	_ =	strace $0x8FFFFFFF  }
0x98: {  	s19 =	sld [smem:$0x3FDB];
	_ =	sdelay $0x1  }
0x99: {  	s4 =	simm.s32 $_scs_section_size  }
0x9a: {  	s5 =	simm.s32 $_size__tile_overlayer_lowered;
	s6 =	simm.s32 $_tile_overlayer_lowered  }
0x9b: {  	s22 =	simm.s32 $0x1BFF;
	s21 =	sshll.u32 s6, $0x1;
	s3 =	sadd.s32 s4, s19  }
0x9c: {  	s7 =	simm.s32 $0x0;
	s20 =	sshll.u32 s5, $0x1;
	s5 =	sadd.s32 s21, s3  }
0x9d: {  	[timem:s7], [sflag:s22] =	dma.local [hbm:s5], s20  }
0x9e: {  	_ =	swait.ge [sflag:s22], s20  }
0x9f: {  	s4 =	ssub.s32 $0x0, s20;
	[sflag:s22] =	ssyncset.done $0x0  }
0xa0: {  	[sflag:s22] =	ssyncadd.s32 s4;
	_ =	sdelay $0x1  }
0xa1: {  	s23 =	simm.s32 $0x1B8B  }
0xa2: {  	_ =	swait.ge [sflag:s23], $0x1  }
0xa3: {  	[sflag:s23] =	ssyncset.done $0x0  }
0xa4: {  	s25 =	simm.s32 $0x1B8E;
	s24 =	sld [smem:$0x3FFE];
	[sflag:s23] =	ssyncadd.s32 $0xFFFFFFFF  }
0xa5: {  	s26 =	simm.s32 $execute0_lowered;
	[smem:$0x3FD2] =	sst s25  }
0xa6: {  	s5 =	sshll.u32 s26, $0x1;
	_ =	strace $0x80000049;
	[dreg:$0x1] =	wrdreg $0xFFFFFFFF  }
0xa7: {  	s28 =	simm.s32 $_size_execute0_lowered;
	s3 =	sadd.s32 s3, s5;
	[dreg:$0x0] =	wrdreg $0x0  }
0xa8: {  	s5 =	sshll.u32 s28, $0x1;
	[dreg:$0x2] =	wrdreg s3  }
0xa9: {  	[dreg:$0x3] =	wrdreg s5  }
0xaa: {  	[dreg:$0x4] =	wrdreg $0xC0  }
0xab: {  	_ =	task [dreg:s7], $0x5FFFF  }
0xac: {  	[dreg:$0x1] =	wrdreg $0xFFFFFFFF  }
0xad: {  	[dreg:$0x0] =	wrdreg $0x60  }
0xae: {  	[dreg:$0x2] =	wrdreg s24  }
0xaf: {  	[dreg:$0x3] =	wrdreg s2  }
0xb0: {  	[dreg:$0x4] =	wrdreg $0xC7000  }
0xb1: {  	[dreg:$0x5] =	wrdreg $0x9  }
0xb2: {  	_ =	task.clear_ibuf [dreg:s7], $0x6FFFF;
	_ =	strace $0x90000049  }
0xb3: {  	s29 =	simm.s32 $0x9;
	_ =	strace $0x8000004B  }
0xb4: {  	_ =	swait.ge [sflag:s29], $0x1  }
0xb5: {  	[sflag:s29] =	ssyncadd.s32 $0xFFFFFFFF  }
0xb6: {  	_ =	strace $0x9000004B  }
0xb7: {  	_ =	sfence  }
0xb8: {  	s30 =	sld [smem:$0x0];
	_ =	sdelay $0x2  }
0xb9: {  	s31 =	sshll.u32 s1, $0xD;
	s1 =	sshrl.u32 s1, $0x2  }
0xba: {  	s3 =	sand.u32 $0x4000, s31;
	s1 =	sadd.s32 s1, s30  }
0xbb: {  	s0 =	sor.u32 s3, s0;
	s1 =	sshll.u32 s1, $0x11  }
0xbc: {  	s0 =	sor.u32 s1, s0  }
0xbd: {  	s0 =	sadd.s32 $0x8F2B, s0  }
0xbe: {  	[sflag:s0] =	ssyncadd.remote.s32 $0x1  }
0xbf: {  	_ =	sfence.sel $0xFFFF  }
0xc0: {  	[dreg:$0x0] =	wrdreg $0xFFFFFFFF;
	(pc) =	sbr.abs _section_cstart, $3  }
0xc1: {  	[dreg:$0x1] =	wrdreg $0xFFFFFFFF  }
0xc2: {  	_ =	task.clear_ibuf [dreg:s7], $0x2FFFF;
	_ =	strace $0x9FFFFFFF  }
0xc3: {  	(tm) =	ssettm $0x7FFFFFFF  }
tec
execute0_lowered:
.L_overlay_start_1:
0x0: {  	(tag) =	ssettag $0x1  }
0x1: {  	s0 =	srdreg.scid  }
0x2: {  	s7 =	stileid.u32;
	s1 =	rddreg [dreg:$0x0]  }
0x3: {  	s2 =	rddreg [dreg:$0x1];
	s6 =	simm.s32 $0x0;
	s28 =	simm.s32 $0x4  }
0x4: {  	s29 =	simm.s32 $0x30;
	s30 =	simm.s32 $0x10;
	s23 =	simm.s32 $0x0  }
0x5: {  	s0 =	sand.u32 $0x1, s0;
	s3 =	sshll.u32 s7, $0x1;
	s24 =	smul.u32 $0x13800, s7  }
0x6: {  	[smem:$0x7FF] =	sst s6;
	s7 =	smul.u32 $0x4E000, s7;
	s4 =	sor.u32 s0, s3  }
0x7: {  	s3 =	rddreg [dreg:$0x2];
	s5 =	smul.u32 $0x138800, s0;
	s0 =	ssub.s32 $0x2, s0  }
0x8: {  	_ =	strace $0x8000004A;
	s4 =	smul.u32 $0x2710, s4;
	s25 =	sshrl.u32 s0, $0x1  }
0x9: {  	s7 =	sshrl.u32 s7, $0x2;
	s5 =	sadd.s32 s24, s5;
	s0 =	ssub.s32 s0, s25  }
0xa: {  	s24 =	simm.s32 $0x4F00;
	s25 =	simm.s32 $0x6;
	s4 =	sshrl.u32 s4, $0x3  }
0xb: {  	s5 =	sshrl.u32 s5, $0x3;
	s10 =	smax.u32 s0, $0x1;
	s4 =	sadd.s32 s4, s1  }
0xc: {  	s1 =	sadd.s32 s5, s1;
	s5 =	sadd.s32 s7, s3;
	s26 =	sadd.s32 $0x1C00, s4  }
0xd: {  	s4 =	sadd.s32 $0xB840, s4;
	s31 =	sadd.s32 $0x13800, s5;
	s9 =	sadd.s32 $0x15600, s1  }
0xe: {  	s11 =	sadd.s32 $0x1800, s5;
	s12 =	sadd.s32 $0x3000, s5;
	s13 =	sadd.s32 $0x4800, s5  }
.Ltmp0:
0xf: {  	s14 =	sadd.s32 $0x6000, s5;
	s15 =	sadd.s32 $0x7800, s5;
	(pc) =	sbr.rel .LBB2_1-.Ltmp0, $4  }
0x10: {  	s16 =	sadd.s32 $0x9000, s5;
	s17 =	sadd.s32 $0xA800, s5;
	s18 =	sadd.s32 $0xC000, s5  }
0x11: {  	s19 =	sadd.s32 $0xD800, s5;
	s20 =	sadd.s32 $0xF000, s5;
	[dreg:$0x4] =	wrdreg s26  }
0x12: {  	s21 =	sadd.s32 $0x10800, s5;
	s22 =	sadd.s32 $0x12000, s5;
	[dreg:$0x5] =	wrdreg s4  }
0x13: {  	v0 =	vimm.f32 $0.0e+00;
	s1 =	simm.s32 $0x1;
	[dreg:$0x6] =	wrdreg s31;
	s26 =	simm.s32 $0x3  }
.LBB2_8:
0x14: {  	s0 =	simm.s32 $0x2700  }
0x15: {  	[tilespmem:s24], [sflag:$0x1] =	stream.indirect.gather [hbm4b:s2+s30], $0x80, s0, s30, $0xb8;
	[tilespmem:$0x1FF80] =	vst v63  }
0x16: {  	_ =	swait.ge [sflag:s1], $0x800  }
0x17: {  	[sflag:s1] =	ssyncset.done $0x0  }
0x18: {  	s8 =	simm.s32 $0x4E80;
	[sflag:s1] =	ssyncadd.s32 $0xFFFFF800  }
0x19: {  	[spmem:s3] =	stream.indirect.scatter.add.f32 [tilespmem:s24], [sflag:$0x6], $0x80, s8, s30, $0xb8;
	[tilespmem:$0x1FF80] =	vst v63  }
0x1a: {  	s31 =	stileid.u32;
	_ =	swait.ge [sflag:s25], $0x800  }
0x1b: {  	s4 =	sshrl.u32 s5, $0x3;
	s23 =	sadd.s32 $0x1, s23;
	[sflag:s25] =	ssyncset.done $0x0  }
0x1c: {  	s0 =	sshll.u32 s31, $0x6;
	p0 =	sne.s32 s23, s10;
	[sflag:s25] =	ssyncadd.s32 $0xFFFFF800  }
.Ltmp1:
0x1d: {  	s0 =	sor.u32 $0x1C06, s0;
	[bflag:$0x0] =	sbarrier.arrive $0xFFFF;
	(pc) =	sbr.rel @!p0 .LBB2_9-.Ltmp1, $4  }
0x1e: {  	[hbm:s9], [sflag:s0] =	dma.local [spmem:s4], $0x2800  }
0x1f: {  	_ =	swait.ge [sflag:s25], $0x2800  }
0x20: {  	[sflag:s25] =	ssyncset.done $0x0  }
0x21: {  	[sflag:s25] =	ssyncadd.s32 $0xFFFFD800  }
.LBB2_1:
0x22: {  	s0 =	simm.s32 $0x0;
	s4 =	rddreg [dreg:$0x4]  }
0x23: {  	[tilespmem:s0], [sflag:$0x3] =	stream.linear.gather [hbm4b:s4+s0], $0x2710, $0x38;
	[tilespmem:$0x1FF80] =	vst v63  }
0x24: {  	s31 =	rddreg [dreg:$0x5];
	s6 =	simm.s32 $0x2780  }
0x25: {  	[tilespmem:s6], [sflag:$0x4] =	stream.linear.gather [hbm4b:s31+s0], $0x2710, $0x38;
	[tilespmem:$0x1FF80] =	vst v63  }
0x26: {  	s4 =	simm.s32 $0x200;
	s0 =	simm.s32 $0x0  }
.LBB2_2:
0x27: {  	p0 =	sne.s32 s4, $0x5E00;
	[tilespmem:s0+$0x4F70] =	vst v0  }
0x28: {  	[tilespmem:s0+$0x4F00] =	vst v0  }
0x29: {  	[tilespmem:s0+$0x4F10] =	vst v0  }
.Ltmp2:
0x2a: {  	[tilespmem:s0+$0x4F20] =	vst v0;
	(pc) =	sbr.rel @p0 .LBB2_2-.Ltmp2, $4  }
0x2b: {  	[tilespmem:s0+$0x4F30] =	vst v0  }
0x2c: {  	[tilespmem:s0+$0x4F40] =	vst v0  }
0x2d: {  	[tilespmem:s0+$0x4F50] =	vst v0  }
0x2e: {  	[tilespmem:s0+$0x4F60] =	vst v0;
	s0 =	sshra.s32 s4, $0x2;
	s4 =	sadd.s32 $0x200, s4  }
0x2f: {  	[tilespmem:s0+$0x4F70] =	vst v0  }
0x30: {  	[tilespmem:s0+$0x4F00] =	vst v0  }
0x31: {  	[tilespmem:s0+$0x4F10] =	vst v0  }
0x32: {  	[tilespmem:s0+$0x4F20] =	vst v0  }
0x33: {  	[tilespmem:s0+$0x4F30] =	vst v0  }
0x34: {  	[tilespmem:s0+$0x4F40] =	vst v0  }
0x35: {  	[tilespmem:s0+$0x4F50] =	vst v0  }
0x36: {  	[tilespmem:s0+$0x4F60] =	vst v0  }
0x37: {  	[spmem:s5] =	stream.linear.scatter [tilespmem:s24], [sflag:$0x6], $0x1800, $0x38;
	[tilespmem:$0x1FF80] =	vst v63  }
0x38: {  	_ =	swait.ge [sflag:s25], $0x1800  }
0x39: {  	[sflag:s25] =	ssyncset.done $0x0  }
0x3a: {  	[sflag:s25] =	ssyncadd.s32 $0xFFFFE800  }
0x3b: {  	[spmem:s11] =	stream.linear.scatter [tilespmem:s24], [sflag:$0x6], $0x1800, $0x38;
	[tilespmem:$0x1FF80] =	vst v63  }
0x3c: {  	_ =	swait.ge [sflag:s25], $0x1800  }
0x3d: {  	[sflag:s25] =	ssyncset.done $0x0  }
0x3e: {  	[sflag:s25] =	ssyncadd.s32 $0xFFFFE800  }
0x3f: {  	[spmem:s12] =	stream.linear.scatter [tilespmem:s24], [sflag:$0x6], $0x1800, $0x38;
	[tilespmem:$0x1FF80] =	vst v63  }
0x40: {  	_ =	swait.ge [sflag:s25], $0x1800  }
0x41: {  	[sflag:s25] =	ssyncset.done $0x0  }
0x42: {  	[sflag:s25] =	ssyncadd.s32 $0xFFFFE800  }
0x43: {  	[spmem:s13] =	stream.linear.scatter [tilespmem:s24], [sflag:$0x6], $0x1800, $0x38;
	[tilespmem:$0x1FF80] =	vst v63  }
0x44: {  	_ =	swait.ge [sflag:s25], $0x1800  }
0x45: {  	[sflag:s25] =	ssyncset.done $0x0  }
0x46: {  	[sflag:s25] =	ssyncadd.s32 $0xFFFFE800  }
0x47: {  	[spmem:s14] =	stream.linear.scatter [tilespmem:s24], [sflag:$0x6], $0x1800, $0x38;
	[tilespmem:$0x1FF80] =	vst v63  }
0x48: {  	_ =	swait.ge [sflag:s25], $0x1800  }
0x49: {  	[sflag:s25] =	ssyncset.done $0x0  }
0x4a: {  	[sflag:s25] =	ssyncadd.s32 $0xFFFFE800  }
0x4b: {  	[spmem:s15] =	stream.linear.scatter [tilespmem:s24], [sflag:$0x6], $0x1800, $0x38;
	[tilespmem:$0x1FF80] =	vst v63  }
0x4c: {  	_ =	swait.ge [sflag:s25], $0x1800  }
0x4d: {  	[sflag:s25] =	ssyncset.done $0x0  }
0x4e: {  	[sflag:s25] =	ssyncadd.s32 $0xFFFFE800  }
0x4f: {  	[spmem:s16] =	stream.linear.scatter [tilespmem:s24], [sflag:$0x6], $0x1800, $0x38;
	[tilespmem:$0x1FF80] =	vst v63  }
0x50: {  	_ =	swait.ge [sflag:s25], $0x1800  }
0x51: {  	[sflag:s25] =	ssyncset.done $0x0  }
0x52: {  	[sflag:s25] =	ssyncadd.s32 $0xFFFFE800  }
0x53: {  	[spmem:s17] =	stream.linear.scatter [tilespmem:s24], [sflag:$0x6], $0x1800, $0x38;
	[tilespmem:$0x1FF80] =	vst v63  }
0x54: {  	_ =	swait.ge [sflag:s25], $0x1800  }
0x55: {  	[sflag:s25] =	ssyncset.done $0x0  }
0x56: {  	[sflag:s25] =	ssyncadd.s32 $0xFFFFE800  }
0x57: {  	[spmem:s18] =	stream.linear.scatter [tilespmem:s24], [sflag:$0x6], $0x1800, $0x38;
	[tilespmem:$0x1FF80] =	vst v63  }
0x58: {  	_ =	swait.ge [sflag:s25], $0x1800  }
0x59: {  	[sflag:s25] =	ssyncset.done $0x0  }
0x5a: {  	[sflag:s25] =	ssyncadd.s32 $0xFFFFE800  }
0x5b: {  	[spmem:s19] =	stream.linear.scatter [tilespmem:s24], [sflag:$0x6], $0x1800, $0x38;
	[tilespmem:$0x1FF80] =	vst v63  }
0x5c: {  	_ =	swait.ge [sflag:s25], $0x1800  }
0x5d: {  	[sflag:s25] =	ssyncset.done $0x0  }
0x5e: {  	[sflag:s25] =	ssyncadd.s32 $0xFFFFE800  }
0x5f: {  	[spmem:s20] =	stream.linear.scatter [tilespmem:s24], [sflag:$0x6], $0x1800, $0x38;
	[tilespmem:$0x1FF80] =	vst v63  }
0x60: {  	_ =	swait.ge [sflag:s25], $0x1800  }
0x61: {  	[sflag:s25] =	ssyncset.done $0x0  }
0x62: {  	[sflag:s25] =	ssyncadd.s32 $0xFFFFE800  }
0x63: {  	[spmem:s21] =	stream.linear.scatter [tilespmem:s24], [sflag:$0x6], $0x1800, $0x38;
	[tilespmem:$0x1FF80] =	vst v63  }
0x64: {  	_ =	swait.ge [sflag:s25], $0x1800  }
0x65: {  	[sflag:s25] =	ssyncset.done $0x0  }
0x66: {  	[sflag:s25] =	ssyncadd.s32 $0xFFFFE800  }
0x67: {  	[spmem:s22] =	stream.linear.scatter [tilespmem:s24], [sflag:$0x6], $0x1800, $0x38;
	[tilespmem:$0x1FF80] =	vst v63  }
0x68: {  	_ =	swait.ge [sflag:s25], $0x1800  }
0x69: {  	[sflag:s25] =	ssyncset.done $0x0  }
0x6a: {  	s8 =	rddreg [dreg:$0x6];
	[sflag:s25] =	ssyncadd.s32 $0xFFFFE800  }
0x6b: {  	[spmem:s8] =	stream.linear.scatter [tilespmem:s24], [sflag:$0x6], $0x800, $0x38;
	[tilespmem:$0x1FF80] =	vst v63  }
0x6c: {  	_ =	swait.ge [sflag:s25], $0x800  }
0x6d: {  	[sflag:s25] =	ssyncset.done $0x0  }
0x6e: {  	[sflag:s25] =	ssyncadd.s32 $0xFFFFF800  }
0x6f: {  	_ =	swait.ge [sflag:s26], $0x2710  }
0x70: {  	[sflag:s26] =	ssyncset.done $0x0  }
0x71: {  	[sflag:s26] =	ssyncadd.s32 $0xFFFFD8F0  }
0x72: {  	_ =	swait.ge [sflag:s28], $0x2710  }
0x73: {  	[sflag:s28] =	ssyncset.done $0x0  }
0x74: {  	[sflag:s28] =	ssyncadd.s32 $0xFFFFD8F0  }
0x75: {  	s31 =	simm.s32 $0x0;
	[bflag:$0x0] =	sbarrier.arrive $0xFFFF  }
0x76: {  	[tilespmem:s24], [sflag:$0x1] =	stream.indirect.gather [hbm4b:s2+s29], $0x80, s31, s29, $0xb8;
	[tilespmem:$0x1FF80] =	vst v63  }
0x77: {  	s4 =	simm.s32 $0x6700  }
0x78: {  	[tilespmem:s4], [sflag:$0x2] =	stream.indirect.gather [hbm4b:s2+s29], $0x80, s29, s29, $0xb8;
	[tilespmem:$0x1FF80] =	vst v63  }
.Ltmp3:
0x79: {  	_ = 	snop;
	(pc) =	sbr.rel .LBB2_4-.Ltmp3, $4  }
0x7a: {  	s6 =	simm.s32 $0x60;
	s7 =	simm.s32 $0x90;
	s4 =	simm.s32 $0x7F00  }
0x7b: {  	[tilespmem:s4], [sflag:$0x3] =	stream.indirect.gather [hbm4b:s2+s29], $0x80, s6, s29, $0xb8;
	[tilespmem:$0x1FF80] =	vst v63  }
0x7c: {  	s0 =	simm.s32 $0xC0;
	s8 =	simm.s32 $0x9700;
	s4 =	simm.s32 $0x2780  }
0x7d: {  	[tilespmem:s8], [sflag:$0x4] =	stream.indirect.gather [hbm4b:s2+s29], $0x80, s7, s29, $0xb8;
	[tilespmem:$0x1FF80] =	vst v63  }
.LBB2_6:
0x7e: {  	p0 =	seq.s32 s6, $0x2  }
0x7f: {  	s7 =	simm.s32 @p0 $0x3  }
0x80: {  	p1 =	sgt.u32 @p0 s31, $0xCB;
	_ =	swait.ge @p0 [sflag:s7], $0x1800  }
0x81: {  	p2 =	seq.s32 @!p0 s6, $0x3;
	p1 =	por p1, !p0;
	[sflag:s7] =	ssyncset.done @p0 $0x0  }
0x82: {  	s8 =	simm.s32 @!p1 $0x6700;
	[sflag:s7] =	ssyncadd.s32 @p0 $0xFFFFE800;
	s7 =	simm.s32 @!p1 $0x30  }
0x83: {  	[tilespmem:s8], [sflag:$0x2] =	stream.indirect.gather @!p1 [hbm4b:s2+s7], $0x80, s0, s7, $0xb8;
	[tilespmem:$0x1FF80] =	vst v63  }
0x84: {  	s7 =	simm.s32 @p0 $0x30;
	p1 =	por !p2, p0  }
0x85: {  	s8 =	simm.s32 @p0 $0x7F00;
	p3 =	sgt.u32 @!p1 s31, $0xCB;
	s6 =	simm.s32 @!p1 $0x4  }
0x86: {  	[spmem:s3] =	stream.indirect.scatter.add.f32 @p0 [tilespmem:s8], [sflag:$0x7], $0x80, s4, s7, $0xb8;
	[tilespmem:$0x1FF80] =	vst v63  }
0x87: {  	p3 =	por @!p0 p3, !p2;
	_ =	swait.ge @!p1 [sflag:s6], $0x1800  }
0x88: {  	p3 =	por p3, p0;
	[sflag:s6] =	ssyncset.done @!p1 $0x0  }
0x89: {  	s7 =	simm.s32 @!p3 $0x7F00;
	[sflag:s6] =	ssyncadd.s32 @!p1 $0xFFFFE800;
	s6 =	simm.s32 @!p3 $0x30  }
0x8a: {  	[tilespmem:s7], [sflag:$0x3] =	stream.indirect.gather @!p3 [hbm4b:s2+s6], $0x80, s0, s6, $0xb8;
	[tilespmem:$0x1FF80] =	vst v63  }
0x8b: {  	s6 =	simm.s32 @!p1 $0x30;
	s7 =	simm.s32 @!p1 $0x9700;
	p3 =	por p2, p0  }
0x8c: {  	[spmem:s3] =	stream.indirect.scatter.add.f32 @!p1 [tilespmem:s7], [sflag:$0x7], $0x80, s4, s6, $0xb8;
	[tilespmem:$0x1FF80] =	vst v63  }
0x8d: {  	p4 =	sgt.u32 @!p3 s31, $0xCB;
	s6 =	simm.s32 @!p3 $0x5  }
0x8e: {  	p2 =	por @!p0 p4, p2;
	_ =	swait.ge @!p3 [sflag:s6], $0x1800  }
0x8f: {  	p2 =	por p2, p0;
	[sflag:s6] =	ssyncset.done @!p3 $0x0  }
0x90: {  	s7 =	simm.s32 @!p2 $0x9700;
	[sflag:s6] =	ssyncadd.s32 @!p3 $0xFFFFE800;
	s6 =	simm.s32 @!p2 $0x30  }
0x91: {  	[tilespmem:s7], [sflag:$0x4] =	stream.indirect.gather @!p2 [hbm4b:s2+s6], $0x80, s0, s6, $0xb8;
	[tilespmem:$0x1FF80] =	vst v63  }
0x92: {  	s6 =	simm.s32 @!p1 $0x7  }
0x93: {  	s8 =	simm.s32 @!p3 $0xAF00;
	s7 =	simm.s32 @!p3 $0x30;
	s6 =	simm.s32 @p1 $0x6  }
0x94: {  	[spmem:s3] =	stream.indirect.scatter.add.f32 @!p3 [tilespmem:s8], [sflag:$0x6], $0x80, s4, s7, $0xb8;
	[tilespmem:$0x1FF80] =	vst v63  }
0x95: {  	s6 =	simm.s32 @p0 $0x7  }
.LBB2_7:
0x96: {  	s31 =	sadd.s32 $0x1, s31  }
0x97: {  	p0 =	sne.s32 s31, $0xD0  }
.Ltmp4:
0x98: {  	_ = 	snop;
	(pc) =	sbr.rel @!p0 .LBB2_8-.Ltmp4, $4  }
0x99: {  	_ = 	snop  }
0x9a: {  	_ =	swait.ge [sflag:s6], $0x1800  }
0x9b: {  	[sflag:s6] =	ssyncset.done $0x0  }
0x9c: {  	s0 =	sadd.s32 $0x30, s0;
	s4 =	sadd.s32 $0x30, s4;
	[sflag:s6] =	ssyncadd.s32 $0xFFFFE800  }
.LBB2_4:
0x9d: {  	s6 =	smul.u32 $0xCD, s31;
	_ =	sdelay $0x1  }
0x9e: {  	s6 =	sshrl.u32 s6, $0xA  }
0x9f: {  	s6 =	sand.u32 $0x3F, s6  }
0xa0: {  	s6 =	smul.u32 $0x5, s6;
	_ =	sdelay $0x1  }
0xa1: {  	s6 =	ssub.s32 s31, s6  }
0xa2: {  	s6 =	sand.u32 $0xFF, s6  }
0xa3: {  	p0 =	sgt.s32 s6, $0x1  }
.Ltmp5:
0xa4: {  	_ = 	snop;
	(pc) =	sbr.rel @p0 .LBB2_6-.Ltmp5, $1  }
0xa5: {  	_ =	sdelay $0x3  }
0xa6: {  	p0 =	seq.s32 s6, $0x0  }
0xa7: {  	s6 =	simm.s32 @p0 $0x1  }
0xa8: {  	p1 =	sgt.u32 @p0 s31, $0xCB;
	_ =	swait.ge @p0 [sflag:s6], $0x1800  }
0xa9: {  	p1 =	por p1, !p0;
	[sflag:s6] =	ssyncset.done @p0 $0x0  }
0xaa: {  	s7 =	simm.s32 @!p1 $0xAF00;
	[sflag:s6] =	ssyncadd.s32 @p0 $0xFFFFE800;
	s6 =	simm.s32 @!p1 $0x30  }
0xab: {  	[tilespmem:s7], [sflag:$0x5] =	stream.indirect.gather @!p1 [hbm4b:s2+s6], $0x80, s0, s6, $0xb8;
	[tilespmem:$0x1FF80] =	vst v63  }
0xac: {  	s6 =	simm.s32 @p0 $0x30;
	s7 =	simm.s32 @p0 $0x4F00  }
0xad: {  	[spmem:s3] =	stream.indirect.scatter.add.f32 @p0 [tilespmem:s7], [sflag:$0x7], $0x80, s4, s6, $0xb8;
	[tilespmem:$0x1FF80] =	vst v63  }
0xae: {  	s6 =	simm.s32 @!p0 $0x2  }
0xaf: {  	p1 =	sgt.u32 @!p0 s31, $0xCB;
	_ =	swait.ge @!p0 [sflag:s6], $0x1800  }
0xb0: {  	p1 =	por p1, p0;
	[sflag:s6] =	ssyncset.done @!p0 $0x0  }
0xb1: {  	s7 =	simm.s32 @!p1 $0x4F00;
	[sflag:s6] =	ssyncadd.s32 @!p0 $0xFFFFE800;
	s6 =	simm.s32 @!p1 $0x30  }
0xb2: {  	[tilespmem:s7], [sflag:$0x1] =	stream.indirect.gather @!p1 [hbm4b:s2+s6], $0x80, s0, s6, $0xb8;
	[tilespmem:$0x1FF80] =	vst v63  }
.Ltmp6:
0xb3: {  	_ = 	snop;
	(pc) =	sbr.rel .LBB2_7-.Ltmp6, $4  }
0xb4: {  	s6 =	simm.s32 @!p0 $0x30;
	s7 =	simm.s32 @!p0 $0x6700  }
0xb5: {  	[spmem:s3] =	stream.indirect.scatter.add.f32 @!p0 [tilespmem:s7], [sflag:$0x7], $0x80, s4, s6, $0xb8;
	[tilespmem:$0x1FF80] =	vst v63  }
0xb6: {  	s6 =	simm.s32 @!p0 $0x7  }
0xb7: {  	s6 =	simm.s32 @p0 $0x7  }
.LBB2_9:
0xb8: {  	_ =	sfence.sel $0x180000  }
0xb9: {  	[bflag:$0x0] =	sbarrier.arrive $0xFFFF  }
0xba: {  	_ =	strace $0x9000004A  }
0xbb: {  	s0 =	stileid.u32;
	[bflag:$0x2] =	sbarrier.arrive $0xFFFF  }
0xbc: {  	p0 =	sne.s32 s0, $0x0;
	s0 =	rddreg [dreg:$0x3]  }
0xbd: {  	s0 =	sadd.s32 @!p0 $0x100000, s0  }
0xbe: {  	[sflag:s0] =	ssyncadd.tile.s32 @!p0 $0x1;
	_ =	shalt  }
.Lfunc_end2:
_tile_overlayer_lowered:
.L_overlay_start_2:
0xbf: {  	(tag) =	ssettag $0x2  }
0xc0: {  	s0 =	rddreg [dreg:$0x0];
	s2 =	stileid.u32  }
0xc1: {  	s1 =	rddreg [dreg:$0x1];
	p0 =	sne.s32 s2, $0x0  }
0xc2: {  	s3 =	rddreg [dreg:$0x2];
	[bflag:$0x3] =	sbarrier.arrive $0xFFFF;
	s2 =	simm.s32 @!p0 $0x1C06  }
0xc3: {  	[timem:s3], [sflag:s2] =	dma.local @!p0 [hbm:s0], s1  }
0xc4: {  	s0 =	simm.s32 @!p0 $0x6  }
0xc5: {  	_ =	swait.ge @!p0 [sflag:s0], s1  }
0xc6: {  	s1 =	ssub.s32 @!p0 $0x0, s1;
	[sflag:s0] =	ssyncset.done @!p0 $0x0  }
0xc7: {  	[sflag:s0] =	ssyncadd.s32 @!p0 s1  }
0xc8: {  	[bflag:$0x3] =	sbarrier.arrive $0xFFFF  }
0xc9: {  	_ =	shalt  }

</sc_bundles>
